<compile_context>
chip_gen: v7x
topology: tpu7x:2x2x1
jax: 0.10.2.dev20260603
libtpu: 0.0.44.dev20260713+nightly
codegen_flags: <defaults>
</compile_context>

<pallas_src>
import jax
import jax.numpy as jnp
from jax import lax
from jax.experimental import pallas as pl
from jax.experimental.pallas import tpu as pltpu
from jax.experimental.pallas import tpu_sc as plsc

B = 4096
T = 20
V = 1000
H = 1024

NC = 2
NS = 16
NW = NC * NS
SENT_W = B // NW
VC = 200
HZ = 64


def _sc_body(x_hbm, z_h_hbm, sent_hbm, hidden_hbm,
             tok_v, sent_v, zbuf, hsem):
    cid = lax.axis_index("c")
    sid = lax.axis_index("s")
    wid = sid * NC + cid
    s0 = wid * SENT_W
    lane = lax.iota(jnp.int32, 16)

    pltpu.sync_copy(x_hbm.at[:, pl.ds(s0, SENT_W)], tok_v)

    pltpu.sync_copy(z_h_hbm, zbuf)

    for t in range(T):
        for k in range(SENT_W // HZ):
            pltpu.async_copy(zbuf, hidden_hbm.at[t, pl.ds(s0 + k * HZ, HZ)],
                             hsem)

    for j in range(SENT_W // 16):
        srow = j * 16 + lane

        def tstep(t, seen, srow=srow):
            tcol = jnp.full((16,), 0, jnp.int32) + t
            toki = plsc.load_gather(tok_v, [tcol, srow]).astype(jnp.int32)
            seen = seen | (toki == 0).astype(jnp.int32)
            out = jnp.where(seen == 1, 0, toki)
            plsc.store_scatter(sent_v, [tcol, srow], out)
            return seen

        lax.fori_loop(0, T, tstep, jnp.zeros((16,), jnp.int32))
    pltpu.sync_copy(sent_v, sent_hbm.at[:, pl.ds(s0, SENT_W)])

    for t in range(T):
        for k in range(SENT_W // HZ):
            pltpu.make_async_copy(zbuf,
                                  hidden_hbm.at[t, pl.ds(s0 + k * HZ, HZ)],
                                  hsem).wait()


def _tc_onehot_body(tok_ref, o_ref):
    t = pl.program_id(0)
    vc = pl.program_id(1)
    tok = tok_ref[t, :].astype(jnp.int32)
    vio = lax.broadcasted_iota(jnp.int32, (VC, B), 0) + vc * VC
    o_ref[0] = jnp.where(vio == tok[None, :], 1.0, 0.0)


@jax.jit
def _run(x_tb, z_h):
    mesh = plsc.VectorSubcoreMesh(core_axis_name="c", subcore_axis_name="s")
    sent_tb, hidden_tbh = pl.kernel(
        _sc_body,
        out_type=[
            jax.ShapeDtypeStruct((T, B), jnp.int32),
            jax.ShapeDtypeStruct((T, B, H), jnp.float32),
        ],
        mesh=mesh,
        scratch_types=[
            pltpu.VMEM((T, SENT_W), jnp.float32),
            pltpu.VMEM((T, SENT_W), jnp.int32),
            pltpu.VMEM((HZ, H), jnp.float32),
            pltpu.SemaphoreType.DMA,
        ],
        compiler_params=pltpu.CompilerParams(
            needs_layout_passes=False, use_tc_tiling_on_sc=True),
        name="eos_hidden_sc",
    )(x_tb, z_h)

    logits_tvb = pl.pallas_call(
        _tc_onehot_body,
        out_shape=jax.ShapeDtypeStruct((T, V, B), jnp.float32),
        grid=(T, V // VC),
        in_specs=[pl.BlockSpec((T, B), lambda t, v: (0, 0))],
        out_specs=pl.BlockSpec((1, VC, B), lambda t, v: (t, v, 0)),
        name="onehot_tc",
    )(x_tb)
    return sent_tb, logits_tvb, hidden_tbh


def kernel(x):
    x_tb = jnp.transpose(x, (1, 0))
    z_h = jnp.zeros((HZ, H), jnp.float32)
    sent_tb, logits_tvb, hidden_tbh = _run(x_tb, z_h)
    return (jnp.transpose(sent_tb, (1, 0)),
            jnp.transpose(logits_tvb, (2, 0, 1)),
            jnp.transpose(hidden_tbh, (1, 0, 2)))

# --- scband reference (transcript-rebuilt; emitter-appended) ---
"""Pipeline reference for scband-oracle-thermodule-88261577933104 (READ-ONLY COPY).

The authoritative reference and input builder live on the scoring server;
editing this copy changes nothing except your own understanding.
"""

import jax, jax.numpy as jnp
import numpy as np

B = 4096
T = 20          # max_sentence_length
V = 1000        # vocab_size (len of padded vocabulary, EoS=0, SoS=1)
H = 1024        # hidden_units
LOGITS_BASE = 1.0
EOS = 0


def setup_inputs(seed: int = 0) -> dict:
    key = jax.random.key(seed)
    # x carries integer token ids but arrives as a float tensor (the module casts with .long())
    x = jax.random.randint(key, (B, T), 0, V).astype(jnp.float32)
    return {"x": x}


def reference(x):
    batch_size = x.shape[0]
    # x.shape[-1] == max_sentence_length branch: predicted_sentences = x.reshape(B, T).long()
    sent = x.reshape(batch_size, T).astype(jnp.int32)

    # predicted_logits = zeros(B, T, V).scatter_(-1, sent.unsqueeze(-1).repeat(1,1,V), ones)
    # The repeated index scatters the same position V times -> effectively a one-hot overwrite.
    logits = jnp.zeros((batch_size, T, V), dtype=jnp.float32)
    b_idx = jnp.arange(batch_size)[:, None]
    t_idx = jnp.arange(T)[None, :]
    logits = logits.at[b_idx, t_idx, sent].set(1.0)
    logits = logits * LOGITS_BASE

    hidden_states = jnp.zeros((batch_size, T, H), dtype=jnp.float32)

    # EoS propagation: once an EoS token appears, every subsequent token becomes EoS.
    # (Note: logits are computed from the PRE-propagation sentences, matching the torch order.)
    eos_mask = (sent == EOS)
    seen_eos = jnp.cumsum(eos_mask.astype(jnp.int32), axis=1) >= 1
    predicted_sentences = jnp.where(seen_eos, EOS, sent)

    # torch forward returns predicted_sentences; output_dict (when provided) also carries
    # hidden_states and prediction_logits -- we expose all three.
    return predicted_sentences, logits, hidden_states

if __name__ == "__main__":
    import jax
    _d = setup_inputs()
    print(jax.jit(kernel)(*tuple(_d.values())))

</pallas_src>

<mosaic_0001>
#map = affine_map<(d0, d1) -> (0, 0)>
#map1 = affine_map<(d0, d1) -> (0, 0, 0)>
module attributes {stable_mosaic.version = 14 : i64} {
  func.func @eos_hidden_sc(%arg0: i32, %arg1: i32, %arg2: memref<20x4096xf32, #tpu.memory_space<hbm>>, %arg3: memref<64x1024xf32, #tpu.memory_space<hbm>>, %arg4: memref<20x4096xi32, #tpu.memory_space<hbm>>, %arg5: memref<20x4096x1024xf32, #tpu.memory_space<hbm>>, %arg6: memref<20x128xf32, #tpu.memory_space<vmem>>, %arg7: memref<20x128xi32, #tpu.memory_space<vmem>>, %arg8: memref<64x1024xf32, #tpu.memory_space<vmem>>, %arg9: memref<!tpu.dma_semaphore, #tpu.memory_space<semaphore_mem>>) attributes {dimension_semantics = [#tpu.dimension_semantics<core_parallel>, #tpu.dimension_semantics<subcore_parallel>], iteration_bounds = array<i64: 2, 16>, scalar_prefetch = 0 : i64, scratch_operands = 4 : i64, tpu.core_type = #tpu.core_type<sc_vector_subcore>, window_params = [{transform_indices = #map}, {transform_indices = #map}, {transform_indices = #map}, {transform_indices = #map1}]} {
    %mul3A = arith.constant 2 : i32
    %mul3A_0 = arith.muli %arg1, %mul3A : i32
    %add3A = arith.addi %mul3A_0, %arg0 : i32
    %mul3A_1 = arith.constant 128 : i32
    %mul3A_2 = arith.muli %add3A, %mul3A_1 : i32
    %iota3A = tpu.iota {dimensions = array<i32: 0>} : vector<16xi32>
    "tpu.region"() ({
      %run_scoped3A = tpu.sem_alloc : memref<!tpu.dma_semaphore, #tpu.memory_space<semaphore_mem>>
      %dma_start3A_807 = arith.constant 0 : i32
      %dma_start3A_808 = tpu.memref_slice %arg2[%dma_start3A_807, %mul3A_2] : memref<20x4096xf32, #tpu.memory_space<hbm>> -> memref<20x128xf32, #tpu.memory_space<hbm>>
      %dma_start3A_809 = arith.constant 0 : i32
      %dma_start3A_810 = tpu.memref_slice %arg2[%dma_start3A_809, %mul3A_2] : memref<20x4096xf32, #tpu.memory_space<hbm>> -> memref<20x128xf32, #tpu.memory_space<hbm>>
      tpu.enqueue_dma source(%dma_start3A_810 : memref<20x128xf32, #tpu.memory_space<hbm>>) target(%arg6 : memref<20x128xf32, #tpu.memory_space<vmem>>) target_semaphore(%run_scoped3A : memref<!tpu.dma_semaphore, #tpu.memory_space<semaphore_mem>>)
      %dma_wait3A_811 = arith.constant 0 : i32
      %dma_wait3A_812 = tpu.memref_slice %arg2[%dma_wait3A_811, %mul3A_2] : memref<20x4096xf32, #tpu.memory_space<hbm>> -> memref<20x128xf32, #tpu.memory_space<hbm>>
      %dma_wait3A_813 = arith.constant 0 : i32
      %dma_wait3A_814 = tpu.memref_slice %arg2[%dma_wait3A_813, %mul3A_2] : memref<20x4096xf32, #tpu.memory_space<hbm>> -> memref<20x128xf32, #tpu.memory_space<hbm>>
      tpu.wait_dma2 semaphore(%run_scoped3A : memref<!tpu.dma_semaphore, #tpu.memory_space<semaphore_mem>>) src(%dma_wait3A_814 : memref<20x128xf32, #tpu.memory_space<hbm>>) dst(%arg6 : memref<20x128xf32, #tpu.memory_space<vmem>>)
      tpu.yield
    }) : () -> ()
    "tpu.region"() ({
      %run_scoped3A = tpu.sem_alloc : memref<!tpu.dma_semaphore, #tpu.memory_space<semaphore_mem>>
      tpu.enqueue_dma source(%arg3 : memref<64x1024xf32, #tpu.memory_space<hbm>>) target(%arg8 : memref<64x1024xf32, #tpu.memory_space<vmem>>) target_semaphore(%run_scoped3A : memref<!tpu.dma_semaphore, #tpu.memory_space<semaphore_mem>>)
      tpu.wait_dma2 semaphore(%run_scoped3A : memref<!tpu.dma_semaphore, #tpu.memory_space<semaphore_mem>>) src(%arg3 : memref<64x1024xf32, #tpu.memory_space<hbm>>) dst(%arg8 : memref<64x1024xf32, #tpu.memory_space<vmem>>)
      tpu.yield
    }) : () -> ()
    %add3A_3 = arith.constant 0 : i32
    %add3A_4 = arith.addi %mul3A_2, %add3A_3 : i32
    %dma_start3A = arith.constant 0 : i32
    %dma_start3A_5 = arith.constant 0 : i32
    %dma_start3A_6 = tpu.memref_slice %arg5[%dma_start3A, %add3A_4, %dma_start3A_5] : memref<20x4096x1024xf32, #tpu.memory_space<hbm>> -> memref<1x64x1024xf32, #tpu.memory_space<hbm>>
    %dma_start3A_7 = tpu.memref_squeeze %dma_start3A_6 : memref<1x64x1024xf32, #tpu.memory_space<hbm>> -> memref<64x1024xf32, #tpu.memory_space<hbm>>
    %dma_start3A_8 = arith.constant 0 : i32
    %dma_start3A_9 = tpu.memref_slice %arg5[%dma_start3A, %add3A_4, %dma_start3A_8] : memref<20x4096x1024xf32, #tpu.memory_space<hbm>> -> memref<1x64x1024xf32, #tpu.memory_space<hbm>>
    %dma_start3A_10 = tpu.memref_squeeze %dma_start3A_9 : memref<1x64x1024xf32, #tpu.memory_space<hbm>> -> memref<64x1024xf32, #tpu.memory_space<hbm>>
    tpu.enqueue_dma source(%arg8 : memref<64x1024xf32, #tpu.memory_space<vmem>>) target(%dma_start3A_10 : memref<64x1024xf32, #tpu.memory_space<hbm>>) target_semaphore(%arg9 : memref<!tpu.dma_semaphore, #tpu.memory_space<semaphore_mem>>)
    %add3A_11 = arith.constant 64 : i32
    %add3A_12 = arith.addi %mul3A_2, %add3A_11 : i32
    %dma_start3A_13 = arith.constant 0 : i32
    %dma_start3A_14 = arith.constant 0 : i32
    %dma_start3A_15 = tpu.memref_slice %arg5[%dma_start3A_13, %add3A_12, %dma_start3A_14] : memref<20x4096x1024xf32, #tpu.memory_space<hbm>> -> memref<1x64x1024xf32, #tpu.memory_space<hbm>>
    %dma_start3A_16 = tpu.memref_squeeze %dma_start3A_15 : memref<1x64x1024xf32, #tpu.memory_space<hbm>> -> memref<64x1024xf32, #tpu.memory_space<hbm>>
    %dma_start3A_17 = arith.constant 0 : i32
    %dma_start3A_18 = tpu.memref_slice %arg5[%dma_start3A_13, %add3A_12, %dma_start3A_17] : memref<20x4096x1024xf32, #tpu.memory_space<hbm>> -> memref<1x64x1024xf32, #tpu.memory_space<hbm>>
    %dma_start3A_19 = tpu.memref_squeeze %dma_start3A_18 : memref<1x64x1024xf32, #tpu.memory_space<hbm>> -> memref<64x1024xf32, #tpu.memory_space<hbm>>
    tpu.enqueue_dma source(%arg8 : memref<64x1024xf32, #tpu.memory_space<vmem>>) target(%dma_start3A_19 : memref<64x1024xf32, #tpu.memory_space<hbm>>) target_semaphore(%arg9 : memref<!tpu.dma_semaphore, #tpu.memory_space<semaphore_mem>>)
    %add3A_20 = arith.constant 0 : i32
    %add3A_21 = arith.addi %mul3A_2, %add3A_20 : i32
    %dma_start3A_22 = arith.constant 1 : i32
    %dma_start3A_23 = arith.constant 0 : i32
    %dma_start3A_24 = tpu.memref_slice %arg5[%dma_start3A_22, %add3A_21, %dma_start3A_23] : memref<20x4096x1024xf32, #tpu.memory_space<hbm>> -> memref<1x64x1024xf32, #tpu.memory_space<hbm>>
    %dma_start3A_25 = tpu.memref_squeeze %dma_start3A_24 : memref<1x64x1024xf32, #tpu.memory_space<hbm>> -> memref<64x1024xf32, #tpu.memory_space<hbm>>
    %dma_start3A_26 = arith.constant 0 : i32
    %dma_start3A_27 = tpu.memref_slice %arg5[%dma_start3A_22, %add3A_21, %dma_start3A_26] : memref<20x4096x1024xf32, #tpu.memory_space<hbm>> -> memref<1x64x1024xf32, #tpu.memory_space<hbm>>
    %dma_start3A_28 = tpu.memref_squeeze %dma_start3A_27 : memref<1x64x1024xf32, #tpu.memory_space<hbm>> -> memref<64x1024xf32, #tpu.memory_space<hbm>>
    tpu.enqueue_dma source(%arg8 : memref<64x1024xf32, #tpu.memory_space<vmem>>) target(%dma_start3A_28 : memref<64x1024xf32, #tpu.memory_space<hbm>>) target_semaphore(%arg9 : memref<!tpu.dma_semaphore, #tpu.memory_space<semaphore_mem>>)
    %add3A_29 = arith.constant 64 : i32
    %add3A_30 = arith.addi %mul3A_2, %add3A_29 : i32
    %dma_start3A_31 = arith.constant 1 : i32
    %dma_start3A_32 = arith.constant 0 : i32
    %dma_start3A_33 = tpu.memref_slice %arg5[%dma_start3A_31, %add3A_30, %dma_start3A_32] : memref<20x4096x1024xf32, #tpu.memory_space<hbm>> -> memref<1x64x1024xf32, #tpu.memory_space<hbm>>
    %dma_start3A_34 = tpu.memref_squeeze %dma_start3A_33 : memref<1x64x1024xf32, #tpu.memory_space<hbm>> -> memref<64x1024xf32, #tpu.memory_space<hbm>>
    %dma_start3A_35 = arith.constant 0 : i32
    %dma_start3A_36 = tpu.memref_slice %arg5[%dma_start3A_31, %add3A_30, %dma_start3A_35] : memref<20x4096x1024xf32, #tpu.memory_space<hbm>> -> memref<1x64x1024xf32, #tpu.memory_space<hbm>>
    %dma_start3A_37 = tpu.memref_squeeze %dma_start3A_36 : memref<1x64x1024xf32, #tpu.memory_space<hbm>> -> memref<64x1024xf32, #tpu.memory_space<hbm>>
    tpu.enqueue_dma source(%arg8 : memref<64x1024xf32, #tpu.memory_space<vmem>>) target(%dma_start3A_37 : memref<64x1024xf32, #tpu.memory_space<hbm>>) target_semaphore(%arg9 : memref<!tpu.dma_semaphore, #tpu.memory_space<semaphore_mem>>)
    %add3A_38 = arith.constant 0 : i32
    %add3A_39 = arith.addi %mul3A_2, %add3A_38 : i32
    %dma_start3A_40 = arith.constant 2 : i32
    %dma_start3A_41 = arith.constant 0 : i32
    %dma_start3A_42 = tpu.memref_slice %arg5[%dma_start3A_40, %add3A_39, %dma_start3A_41] : memref<20x4096x1024xf32, #tpu.memory_space<hbm>> -> memref<1x64x1024xf32, #tpu.memory_space<hbm>>
    %dma_start3A_43 = tpu.memref_squeeze %dma_start3A_42 : memref<1x64x1024xf32, #tpu.memory_space<hbm>> -> memref<64x1024xf32, #tpu.memory_space<hbm>>
    %dma_start3A_44 = arith.constant 0 : i32
    %dma_start3A_45 = tpu.memref_slice %arg5[%dma_start3A_40, %add3A_39, %dma_start3A_44] : memref<20x4096x1024xf32, #tpu.memory_space<hbm>> -> memref<1x64x1024xf32, #tpu.memory_space<hbm>>
    %dma_start3A_46 = tpu.memref_squeeze %dma_start3A_45 : memref<1x64x1024xf32, #tpu.memory_space<hbm>> -> memref<64x1024xf32, #tpu.memory_space<hbm>>
    tpu.enqueue_dma source(%arg8 : memref<64x1024xf32, #tpu.memory_space<vmem>>) target(%dma_start3A_46 : memref<64x1024xf32, #tpu.memory_space<hbm>>) target_semaphore(%arg9 : memref<!tpu.dma_semaphore, #tpu.memory_space<semaphore_mem>>)
    %add3A_47 = arith.constant 64 : i32
    %add3A_48 = arith.addi %mul3A_2, %add3A_47 : i32
    %dma_start3A_49 = arith.constant 2 : i32
    %dma_start3A_50 = arith.constant 0 : i32
    %dma_start3A_51 = tpu.memref_slice %arg5[%dma_start3A_49, %add3A_48, %dma_start3A_50] : memref<20x4096x1024xf32, #tpu.memory_space<hbm>> -> memref<1x64x1024xf32, #tpu.memory_space<hbm>>
    %dma_start3A_52 = tpu.memref_squeeze %dma_start3A_51 : memref<1x64x1024xf32, #tpu.memory_space<hbm>> -> memref<64x1024xf32, #tpu.memory_space<hbm>>
    %dma_start3A_53 = arith.constant 0 : i32
    %dma_start3A_54 = tpu.memref_slice %arg5[%dma_start3A_49, %add3A_48, %dma_start3A_53] : memref<20x4096x1024xf32, #tpu.memory_space<hbm>> -> memref<1x64x1024xf32, #tpu.memory_space<hbm>>
    %dma_start3A_55 = tpu.memref_squeeze %dma_start3A_54 : memref<1x64x1024xf32, #tpu.memory_space<hbm>> -> memref<64x1024xf32, #tpu.memory_space<hbm>>
    tpu.enqueue_dma source(%arg8 : memref<64x1024xf32, #tpu.memory_space<vmem>>) target(%dma_start3A_55 : memref<64x1024xf32, #tpu.memory_space<hbm>>) target_semaphore(%arg9 : memref<!tpu.dma_semaphore, #tpu.memory_space<semaphore_mem>>)
    %add3A_56 = arith.constant 0 : i32
    %add3A_57 = arith.addi %mul3A_2, %add3A_56 : i32
    %dma_start3A_58 = arith.constant 3 : i32
    %dma_start3A_59 = arith.constant 0 : i32
    %dma_start3A_60 = tpu.memref_slice %arg5[%dma_start3A_58, %add3A_57, %dma_start3A_59] : memref<20x4096x1024xf32, #tpu.memory_space<hbm>> -> memref<1x64x1024xf32, #tpu.memory_space<hbm>>
    %dma_start3A_61 = tpu.memref_squeeze %dma_start3A_60 : memref<1x64x1024xf32, #tpu.memory_space<hbm>> -> memref<64x1024xf32, #tpu.memory_space<hbm>>
    %dma_start3A_62 = arith.constant 0 : i32
    %dma_start3A_63 = tpu.memref_slice %arg5[%dma_start3A_58, %add3A_57, %dma_start3A_62] : memref<20x4096x1024xf32, #tpu.memory_space<hbm>> -> memref<1x64x1024xf32, #tpu.memory_space<hbm>>
    %dma_start3A_64 = tpu.memref_squeeze %dma_start3A_63 : memref<1x64x1024xf32, #tpu.memory_space<hbm>> -> memref<64x1024xf32, #tpu.memory_space<hbm>>
    tpu.enqueue_dma source(%arg8 : memref<64x1024xf32, #tpu.memory_space<vmem>>) target(%dma_start3A_64 : memref<64x1024xf32, #tpu.memory_space<hbm>>) target_semaphore(%arg9 : memref<!tpu.dma_semaphore, #tpu.memory_space<semaphore_mem>>)
    %add3A_65 = arith.constant 64 : i32
    %add3A_66 = arith.addi %mul3A_2, %add3A_65 : i32
    %dma_start3A_67 = arith.constant 3 : i32
    %dma_start3A_68 = arith.constant 0 : i32
    %dma_start3A_69 = tpu.memref_slice %arg5[%dma_start3A_67, %add3A_66, %dma_start3A_68] : memref<20x4096x1024xf32, #tpu.memory_space<hbm>> -> memref<1x64x1024xf32, #tpu.memory_space<hbm>>
    %dma_start3A_70 = tpu.memref_squeeze %dma_start3A_69 : memref<1x64x1024xf32, #tpu.memory_space<hbm>> -> memref<64x1024xf32, #tpu.memory_space<hbm>>
    %dma_start3A_71 = arith.constant 0 : i32
    %dma_start3A_72 = tpu.memref_slice %arg5[%dma_start3A_67, %add3A_66, %dma_start3A_71] : memref<20x4096x1024xf32, #tpu.memory_space<hbm>> -> memref<1x64x1024xf32, #tpu.memory_space<hbm>>
    %dma_start3A_73 = tpu.memref_squeeze %dma_start3A_72 : memref<1x64x1024xf32, #tpu.memory_space<hbm>> -> memref<64x1024xf32, #tpu.memory_space<hbm>>
    tpu.enqueue_dma source(%arg8 : memref<64x1024xf32, #tpu.memory_space<vmem>>) target(%dma_start3A_73 : memref<64x1024xf32, #tpu.memory_space<hbm>>) target_semaphore(%arg9 : memref<!tpu.dma_semaphore, #tpu.memory_space<semaphore_mem>>)
    %add3A_74 = arith.constant 0 : i32
    %add3A_75 = arith.addi %mul3A_2, %add3A_74 : i32
    %dma_start3A_76 = arith.constant 4 : i32
    %dma_start3A_77 = arith.constant 0 : i32
    %dma_start3A_78 = tpu.memref_slice %arg5[%dma_start3A_76, %add3A_75, %dma_start3A_77] : memref<20x4096x1024xf32, #tpu.memory_space<hbm>> -> memref<1x64x1024xf32, #tpu.memory_space<hbm>>
    %dma_start3A_79 = tpu.memref_squeeze %dma_start3A_78 : memref<1x64x1024xf32, #tpu.memory_space<hbm>> -> memref<64x1024xf32, #tpu.memory_space<hbm>>
    %dma_start3A_80 = arith.constant 0 : i32
    %dma_start3A_81 = tpu.memref_slice %arg5[%dma_start3A_76, %add3A_75, %dma_start3A_80] : memref<20x4096x1024xf32, #tpu.memory_space<hbm>> -> memref<1x64x1024xf32, #tpu.memory_space<hbm>>
    %dma_start3A_82 = tpu.memref_squeeze %dma_start3A_81 : memref<1x64x1024xf32, #tpu.memory_space<hbm>> -> memref<64x1024xf32, #tpu.memory_space<hbm>>
    tpu.enqueue_dma source(%arg8 : memref<64x1024xf32, #tpu.memory_space<vmem>>) target(%dma_start3A_82 : memref<64x1024xf32, #tpu.memory_space<hbm>>) target_semaphore(%arg9 : memref<!tpu.dma_semaphore, #tpu.memory_space<semaphore_mem>>)
    %add3A_83 = arith.constant 64 : i32
    %add3A_84 = arith.addi %mul3A_2, %add3A_83 : i32
    %dma_start3A_85 = arith.constant 4 : i32
    %dma_start3A_86 = arith.constant 0 : i32
    %dma_start3A_87 = tpu.memref_slice %arg5[%dma_start3A_85, %add3A_84, %dma_start3A_86] : memref<20x4096x1024xf32, #tpu.memory_space<hbm>> -> memref<1x64x1024xf32, #tpu.memory_space<hbm>>
    %dma_start3A_88 = tpu.memref_squeeze %dma_start3A_87 : memref<1x64x1024xf32, #tpu.memory_space<hbm>> -> memref<64x1024xf32, #tpu.memory_space<hbm>>
    %dma_start3A_89 = arith.constant 0 : i32
    %dma_start3A_90 = tpu.memref_slice %arg5[%dma_start3A_85, %add3A_84, %dma_start3A_89] : memref<20x4096x1024xf32, #tpu.memory_space<hbm>> -> memref<1x64x1024xf32, #tpu.memory_space<hbm>>
    %dma_start3A_91 = tpu.memref_squeeze %dma_start3A_90 : memref<1x64x1024xf32, #tpu.memory_space<hbm>> -> memref<64x1024xf32, #tpu.memory_space<hbm>>
    tpu.enqueue_dma source(%arg8 : memref<64x1024xf32, #tpu.memory_space<vmem>>) target(%dma_start3A_91 : memref<64x1024xf32, #tpu.memory_space<hbm>>) target_semaphore(%arg9 : memref<!tpu.dma_semaphore, #tpu.memory_space<semaphore_mem>>)
    %add3A_92 = arith.constant 0 : i32
    %add3A_93 = arith.addi %mul3A_2, %add3A_92 : i32
    %dma_start3A_94 = arith.constant 5 : i32
    %dma_start3A_95 = arith.constant 0 : i32
    %dma_start3A_96 = tpu.memref_slice %arg5[%dma_start3A_94, %add3A_93, %dma_start3A_95] : memref<20x4096x1024xf32, #tpu.memory_space<hbm>> -> memref<1x64x1024xf32, #tpu.memory_space<hbm>>
    %dma_start3A_97 = tpu.memref_squeeze %dma_start3A_96 : memref<1x64x1024xf32, #tpu.memory_space<hbm>> -> memref<64x1024xf32, #tpu.memory_space<hbm>>
    %dma_start3A_98 = arith.constant 0 : i32
    %dma_start3A_99 = tpu.memref_slice %arg5[%dma_start3A_94, %add3A_93, %dma_start3A_98] : memref<20x4096x1024xf32, #tpu.memory_space<hbm>> -> memref<1x64x1024xf32, #tpu.memory_space<hbm>>
    %dma_start3A_100 = tpu.memref_squeeze %dma_start3A_99 : memref<1x64x1024xf32, #tpu.memory_space<hbm>> -> memref<64x1024xf32, #tpu.memory_space<hbm>>
    tpu.enqueue_dma source(%arg8 : memref<64x1024xf32, #tpu.memory_space<vmem>>) target(%dma_start3A_100 : memref<64x1024xf32, #tpu.memory_space<hbm>>) target_semaphore(%arg9 : memref<!tpu.dma_semaphore, #tpu.memory_space<semaphore_mem>>)
    %add3A_101 = arith.constant 64 : i32
    %add3A_102 = arith.addi %mul3A_2, %add3A_101 : i32
    %dma_start3A_103 = arith.constant 5 : i32
    %dma_start3A_104 = arith.constant 0 : i32
    %dma_start3A_105 = tpu.memref_slice %arg5[%dma_start3A_103, %add3A_102, %dma_start3A_104] : memref<20x4096x1024xf32, #tpu.memory_space<hbm>> -> memref<1x64x1024xf32, #tpu.memory_space<hbm>>
    %dma_start3A_106 = tpu.memref_squeeze %dma_start3A_105 : memref<1x64x1024xf32, #tpu.memory_space<hbm>> -> memref<64x1024xf32, #tpu.memory_space<hbm>>
    %dma_start3A_107 = arith.constant 0 : i32
    %dma_start3A_108 = tpu.memref_slice %arg5[%dma_start3A_103, %add3A_102, %dma_start3A_107] : memref<20x4096x1024xf32, #tpu.memory_space<hbm>> -> memref<1x64x1024xf32, #tpu.memory_space<hbm>>
    %dma_start3A_109 = tpu.memref_squeeze %dma_start3A_108 : memref<1x64x1024xf32, #tpu.memory_space<hbm>> -> memref<64x1024xf32, #tpu.memory_space<hbm>>
    tpu.enqueue_dma source(%arg8 : memref<64x1024xf32, #tpu.memory_space<vmem>>) target(%dma_start3A_109 : memref<64x1024xf32, #tpu.memory_space<hbm>>) target_semaphore(%arg9 : memref<!tpu.dma_semaphore, #tpu.memory_space<semaphore_mem>>)
    %add3A_110 = arith.constant 0 : i32
    %add3A_111 = arith.addi %mul3A_2, %add3A_110 : i32
    %dma_start3A_112 = arith.constant 6 : i32
    %dma_start3A_113 = arith.constant 0 : i32
    %dma_start3A_114 = tpu.memref_slice %arg5[%dma_start3A_112, %add3A_111, %dma_start3A_113] : memref<20x4096x1024xf32, #tpu.memory_space<hbm>> -> memref<1x64x1024xf32, #tpu.memory_space<hbm>>
    %dma_start3A_115 = tpu.memref_squeeze %dma_start3A_114 : memref<1x64x1024xf32, #tpu.memory_space<hbm>> -> memref<64x1024xf32, #tpu.memory_space<hbm>>
    %dma_start3A_116 = arith.constant 0 : i32
    %dma_start3A_117 = tpu.memref_slice %arg5[%dma_start3A_112, %add3A_111, %dma_start3A_116] : memref<20x4096x1024xf32, #tpu.memory_space<hbm>> -> memref<1x64x1024xf32, #tpu.memory_space<hbm>>
    %dma_start3A_118 = tpu.memref_squeeze %dma_start3A_117 : memref<1x64x1024xf32, #tpu.memory_space<hbm>> -> memref<64x1024xf32, #tpu.memory_space<hbm>>
    tpu.enqueue_dma source(%arg8 : memref<64x1024xf32, #tpu.memory_space<vmem>>) target(%dma_start3A_118 : memref<64x1024xf32, #tpu.memory_space<hbm>>) target_semaphore(%arg9 : memref<!tpu.dma_semaphore, #tpu.memory_space<semaphore_mem>>)
    %add3A_119 = arith.constant 64 : i32
    %add3A_120 = arith.addi %mul3A_2, %add3A_119 : i32
    %dma_start3A_121 = arith.constant 6 : i32
    %dma_start3A_122 = arith.constant 0 : i32
    %dma_start3A_123 = tpu.memref_slice %arg5[%dma_start3A_121, %add3A_120, %dma_start3A_122] : memref<20x4096x1024xf32, #tpu.memory_space<hbm>> -> memref<1x64x1024xf32, #tpu.memory_space<hbm>>
    %dma_start3A_124 = tpu.memref_squeeze %dma_start3A_123 : memref<1x64x1024xf32, #tpu.memory_space<hbm>> -> memref<64x1024xf32, #tpu.memory_space<hbm>>
    %dma_start3A_125 = arith.constant 0 : i32
    %dma_start3A_126 = tpu.memref_slice %arg5[%dma_start3A_121, %add3A_120, %dma_start3A_125] : memref<20x4096x1024xf32, #tpu.memory_space<hbm>> -> memref<1x64x1024xf32, #tpu.memory_space<hbm>>
    %dma_start3A_127 = tpu.memref_squeeze %dma_start3A_126 : memref<1x64x1024xf32, #tpu.memory_space<hbm>> -> memref<64x1024xf32, #tpu.memory_space<hbm>>
    tpu.enqueue_dma source(%arg8 : memref<64x1024xf32, #tpu.memory_space<vmem>>) target(%dma_start3A_127 : memref<64x1024xf32, #tpu.memory_space<hbm>>) target_semaphore(%arg9 : memref<!tpu.dma_semaphore, #tpu.memory_space<semaphore_mem>>)
    %add3A_128 = arith.constant 0 : i32
    %add3A_129 = arith.addi %mul3A_2, %add3A_128 : i32
    %dma_start3A_130 = arith.constant 7 : i32
    %dma_start3A_131 = arith.constant 0 : i32
    %dma_start3A_132 = tpu.memref_slice %arg5[%dma_start3A_130, %add3A_129, %dma_start3A_131] : memref<20x4096x1024xf32, #tpu.memory_space<hbm>> -> memref<1x64x1024xf32, #tpu.memory_space<hbm>>
    %dma_start3A_133 = tpu.memref_squeeze %dma_start3A_132 : memref<1x64x1024xf32, #tpu.memory_space<hbm>> -> memref<64x1024xf32, #tpu.memory_space<hbm>>
    %dma_start3A_134 = arith.constant 0 : i32
    %dma_start3A_135 = tpu.memref_slice %arg5[%dma_start3A_130, %add3A_129, %dma_start3A_134] : memref<20x4096x1024xf32, #tpu.memory_space<hbm>> -> memref<1x64x1024xf32, #tpu.memory_space<hbm>>
    %dma_start3A_136 = tpu.memref_squeeze %dma_start3A_135 : memref<1x64x1024xf32, #tpu.memory_space<hbm>> -> memref<64x1024xf32, #tpu.memory_space<hbm>>
    tpu.enqueue_dma source(%arg8 : memref<64x1024xf32, #tpu.memory_space<vmem>>) target(%dma_start3A_136 : memref<64x1024xf32, #tpu.memory_space<hbm>>) target_semaphore(%arg9 : memref<!tpu.dma_semaphore, #tpu.memory_space<semaphore_mem>>)
    %add3A_137 = arith.constant 64 : i32
    %add3A_138 = arith.addi %mul3A_2, %add3A_137 : i32
    %dma_start3A_139 = arith.constant 7 : i32
    %dma_start3A_140 = arith.constant 0 : i32
    %dma_start3A_141 = tpu.memref_slice %arg5[%dma_start3A_139, %add3A_138, %dma_start3A_140] : memref<20x4096x1024xf32, #tpu.memory_space<hbm>> -> memref<1x64x1024xf32, #tpu.memory_space<hbm>>
    %dma_start3A_142 = tpu.memref_squeeze %dma_start3A_141 : memref<1x64x1024xf32, #tpu.memory_space<hbm>> -> memref<64x1024xf32, #tpu.memory_space<hbm>>
    %dma_start3A_143 = arith.constant 0 : i32
    %dma_start3A_144 = tpu.memref_slice %arg5[%dma_start3A_139, %add3A_138, %dma_start3A_143] : memref<20x4096x1024xf32, #tpu.memory_space<hbm>> -> memref<1x64x1024xf32, #tpu.memory_space<hbm>>
    %dma_start3A_145 = tpu.memref_squeeze %dma_start3A_144 : memref<1x64x1024xf32, #tpu.memory_space<hbm>> -> memref<64x1024xf32, #tpu.memory_space<hbm>>
    tpu.enqueue_dma source(%arg8 : memref<64x1024xf32, #tpu.memory_space<vmem>>) target(%dma_start3A_145 : memref<64x1024xf32, #tpu.memory_space<hbm>>) target_semaphore(%arg9 : memref<!tpu.dma_semaphore, #tpu.memory_space<semaphore_mem>>)
    %add3A_146 = arith.constant 0 : i32
    %add3A_147 = arith.addi %mul3A_2, %add3A_146 : i32
    %dma_start3A_148 = arith.constant 8 : i32
    %dma_start3A_149 = arith.constant 0 : i32
    %dma_start3A_150 = tpu.memref_slice %arg5[%dma_start3A_148, %add3A_147, %dma_start3A_149] : memref<20x4096x1024xf32, #tpu.memory_space<hbm>> -> memref<1x64x1024xf32, #tpu.memory_space<hbm>>
    %dma_start3A_151 = tpu.memref_squeeze %dma_start3A_150 : memref<1x64x1024xf32, #tpu.memory_space<hbm>> -> memref<64x1024xf32, #tpu.memory_space<hbm>>
    %dma_start3A_152 = arith.constant 0 : i32
    %dma_start3A_153 = tpu.memref_slice %arg5[%dma_start3A_148, %add3A_147, %dma_start3A_152] : memref<20x4096x1024xf32, #tpu.memory_space<hbm>> -> memref<1x64x1024xf32, #tpu.memory_space<hbm>>
    %dma_start3A_154 = tpu.memref_squeeze %dma_start3A_153 : memref<1x64x1024xf32, #tpu.memory_space<hbm>> -> memref<64x1024xf32, #tpu.memory_space<hbm>>
    tpu.enqueue_dma source(%arg8 : memref<64x1024xf32, #tpu.memory_space<vmem>>) target(%dma_start3A_154 : memref<64x1024xf32, #tpu.memory_space<hbm>>) target_semaphore(%arg9 : memref<!tpu.dma_semaphore, #tpu.memory_space<semaphore_mem>>)
    %add3A_155 = arith.constant 64 : i32
    %add3A_156 = arith.addi %mul3A_2, %add3A_155 : i32
    %dma_start3A_157 = arith.constant 8 : i32
    %dma_start3A_158 = arith.constant 0 : i32
    %dma_start3A_159 = tpu.memref_slice %arg5[%dma_start3A_157, %add3A_156, %dma_start3A_158] : memref<20x4096x1024xf32, #tpu.memory_space<hbm>> -> memref<1x64x1024xf32, #tpu.memory_space<hbm>>
    %dma_start3A_160 = tpu.memref_squeeze %dma_start3A_159 : memref<1x64x1024xf32, #tpu.memory_space<hbm>> -> memref<64x1024xf32, #tpu.memory_space<hbm>>
    %dma_start3A_161 = arith.constant 0 : i32
    %dma_start3A_162 = tpu.memref_slice %arg5[%dma_start3A_157, %add3A_156, %dma_start3A_161] : memref<20x4096x1024xf32, #tpu.memory_space<hbm>> -> memref<1x64x1024xf32, #tpu.memory_space<hbm>>
    %dma_start3A_163 = tpu.memref_squeeze %dma_start3A_162 : memref<1x64x1024xf32, #tpu.memory_space<hbm>> -> memref<64x1024xf32, #tpu.memory_space<hbm>>
    tpu.enqueue_dma source(%arg8 : memref<64x1024xf32, #tpu.memory_space<vmem>>) target(%dma_start3A_163 : memref<64x1024xf32, #tpu.memory_space<hbm>>) target_semaphore(%arg9 : memref<!tpu.dma_semaphore, #tpu.memory_space<semaphore_mem>>)
    %add3A_164 = arith.constant 0 : i32
    %add3A_165 = arith.addi %mul3A_2, %add3A_164 : i32
    %dma_start3A_166 = arith.constant 9 : i32
    %dma_start3A_167 = arith.constant 0 : i32
    %dma_start3A_168 = tpu.memref_slice %arg5[%dma_start3A_166, %add3A_165, %dma_start3A_167] : memref<20x4096x1024xf32, #tpu.memory_space<hbm>> -> memref<1x64x1024xf32, #tpu.memory_space<hbm>>
    %dma_start3A_169 = tpu.memref_squeeze %dma_start3A_168 : memref<1x64x1024xf32, #tpu.memory_space<hbm>> -> memref<64x1024xf32, #tpu.memory_space<hbm>>
    %dma_start3A_170 = arith.constant 0 : i32
    %dma_start3A_171 = tpu.memref_slice %arg5[%dma_start3A_166, %add3A_165, %dma_start3A_170] : memref<20x4096x1024xf32, #tpu.memory_space<hbm>> -> memref<1x64x1024xf32, #tpu.memory_space<hbm>>
    %dma_start3A_172 = tpu.memref_squeeze %dma_start3A_171 : memref<1x64x1024xf32, #tpu.memory_space<hbm>> -> memref<64x1024xf32, #tpu.memory_space<hbm>>
    tpu.enqueue_dma source(%arg8 : memref<64x1024xf32, #tpu.memory_space<vmem>>) target(%dma_start3A_172 : memref<64x1024xf32, #tpu.memory_space<hbm>>) target_semaphore(%arg9 : memref<!tpu.dma_semaphore, #tpu.memory_space<semaphore_mem>>)
    %add3A_173 = arith.constant 64 : i32
    %add3A_174 = arith.addi %mul3A_2, %add3A_173 : i32
    %dma_start3A_175 = arith.constant 9 : i32
    %dma_start3A_176 = arith.constant 0 : i32
    %dma_start3A_177 = tpu.memref_slice %arg5[%dma_start3A_175, %add3A_174, %dma_start3A_176] : memref<20x4096x1024xf32, #tpu.memory_space<hbm>> -> memref<1x64x1024xf32, #tpu.memory_space<hbm>>
    %dma_start3A_178 = tpu.memref_squeeze %dma_start3A_177 : memref<1x64x1024xf32, #tpu.memory_space<hbm>> -> memref<64x1024xf32, #tpu.memory_space<hbm>>
    %dma_start3A_179 = arith.constant 0 : i32
    %dma_start3A_180 = tpu.memref_slice %arg5[%dma_start3A_175, %add3A_174, %dma_start3A_179] : memref<20x4096x1024xf32, #tpu.memory_space<hbm>> -> memref<1x64x1024xf32, #tpu.memory_space<hbm>>
    %dma_start3A_181 = tpu.memref_squeeze %dma_start3A_180 : memref<1x64x1024xf32, #tpu.memory_space<hbm>> -> memref<64x1024xf32, #tpu.memory_space<hbm>>
    tpu.enqueue_dma source(%arg8 : memref<64x1024xf32, #tpu.memory_space<vmem>>) target(%dma_start3A_181 : memref<64x1024xf32, #tpu.memory_space<hbm>>) target_semaphore(%arg9 : memref<!tpu.dma_semaphore, #tpu.memory_space<semaphore_mem>>)
    %add3A_182 = arith.constant 0 : i32
    %add3A_183 = arith.addi %mul3A_2, %add3A_182 : i32
    %dma_start3A_184 = arith.constant 10 : i32
    %dma_start3A_185 = arith.constant 0 : i32
    %dma_start3A_186 = tpu.memref_slice %arg5[%dma_start3A_184, %add3A_183, %dma_start3A_185] : memref<20x4096x1024xf32, #tpu.memory_space<hbm>> -> memref<1x64x1024xf32, #tpu.memory_space<hbm>>
    %dma_start3A_187 = tpu.memref_squeeze %dma_start3A_186 : memref<1x64x1024xf32, #tpu.memory_space<hbm>> -> memref<64x1024xf32, #tpu.memory_space<hbm>>
    %dma_start3A_188 = arith.constant 0 : i32
    %dma_start3A_189 = tpu.memref_slice %arg5[%dma_start3A_184, %add3A_183, %dma_start3A_188] : memref<20x4096x1024xf32, #tpu.memory_space<hbm>> -> memref<1x64x1024xf32, #tpu.memory_space<hbm>>
    %dma_start3A_190 = tpu.memref_squeeze %dma_start3A_189 : memref<1x64x1024xf32, #tpu.memory_space<hbm>> -> memref<64x1024xf32, #tpu.memory_space<hbm>>
    tpu.enqueue_dma source(%arg8 : memref<64x1024xf32, #tpu.memory_space<vmem>>) target(%dma_start3A_190 : memref<64x1024xf32, #tpu.memory_space<hbm>>) target_semaphore(%arg9 : memref<!tpu.dma_semaphore, #tpu.memory_space<semaphore_mem>>)
    %add3A_191 = arith.constant 64 : i32
    %add3A_192 = arith.addi %mul3A_2, %add3A_191 : i32
    %dma_start3A_193 = arith.constant 10 : i32
    %dma_start3A_194 = arith.constant 0 : i32
    %dma_start3A_195 = tpu.memref_slice %arg5[%dma_start3A_193, %add3A_192, %dma_start3A_194] : memref<20x4096x1024xf32, #tpu.memory_space<hbm>> -> memref<1x64x1024xf32, #tpu.memory_space<hbm>>
    %dma_start3A_196 = tpu.memref_squeeze %dma_start3A_195 : memref<1x64x1024xf32, #tpu.memory_space<hbm>> -> memref<64x1024xf32, #tpu.memory_space<hbm>>
    %dma_start3A_197 = arith.constant 0 : i32
    %dma_start3A_198 = tpu.memref_slice %arg5[%dma_start3A_193, %add3A_192, %dma_start3A_197] : memref<20x4096x1024xf32, #tpu.memory_space<hbm>> -> memref<1x64x1024xf32, #tpu.memory_space<hbm>>
    %dma_start3A_199 = tpu.memref_squeeze %dma_start3A_198 : memref<1x64x1024xf32, #tpu.memory_space<hbm>> -> memref<64x1024xf32, #tpu.memory_space<hbm>>
    tpu.enqueue_dma source(%arg8 : memref<64x1024xf32, #tpu.memory_space<vmem>>) target(%dma_start3A_199 : memref<64x1024xf32, #tpu.memory_space<hbm>>) target_semaphore(%arg9 : memref<!tpu.dma_semaphore, #tpu.memory_space<semaphore_mem>>)
    %add3A_200 = arith.constant 0 : i32
    %add3A_201 = arith.addi %mul3A_2, %add3A_200 : i32
    %dma_start3A_202 = arith.constant 11 : i32
    %dma_start3A_203 = arith.constant 0 : i32
    %dma_start3A_204 = tpu.memref_slice %arg5[%dma_start3A_202, %add3A_201, %dma_start3A_203] : memref<20x4096x1024xf32, #tpu.memory_space<hbm>> -> memref<1x64x1024xf32, #tpu.memory_space<hbm>>
    %dma_start3A_205 = tpu.memref_squeeze %dma_start3A_204 : memref<1x64x1024xf32, #tpu.memory_space<hbm>> -> memref<64x1024xf32, #tpu.memory_space<hbm>>
    %dma_start3A_206 = arith.constant 0 : i32
    %dma_start3A_207 = tpu.memref_slice %arg5[%dma_start3A_202, %add3A_201, %dma_start3A_206] : memref<20x4096x1024xf32, #tpu.memory_space<hbm>> -> memref<1x64x1024xf32, #tpu.memory_space<hbm>>
    %dma_start3A_208 = tpu.memref_squeeze %dma_start3A_207 : memref<1x64x1024xf32, #tpu.memory_space<hbm>> -> memref<64x1024xf32, #tpu.memory_space<hbm>>
    tpu.enqueue_dma source(%arg8 : memref<64x1024xf32, #tpu.memory_space<vmem>>) target(%dma_start3A_208 : memref<64x1024xf32, #tpu.memory_space<hbm>>) target_semaphore(%arg9 : memref<!tpu.dma_semaphore, #tpu.memory_space<semaphore_mem>>)
    %add3A_209 = arith.constant 64 : i32
    %add3A_210 = arith.addi %mul3A_2, %add3A_209 : i32
    %dma_start3A_211 = arith.constant 11 : i32
    %dma_start3A_212 = arith.constant 0 : i32
    %dma_start3A_213 = tpu.memref_slice %arg5[%dma_start3A_211, %add3A_210, %dma_start3A_212] : memref<20x4096x1024xf32, #tpu.memory_space<hbm>> -> memref<1x64x1024xf32, #tpu.memory_space<hbm>>
    %dma_start3A_214 = tpu.memref_squeeze %dma_start3A_213 : memref<1x64x1024xf32, #tpu.memory_space<hbm>> -> memref<64x1024xf32, #tpu.memory_space<hbm>>
    %dma_start3A_215 = arith.constant 0 : i32
    %dma_start3A_216 = tpu.memref_slice %arg5[%dma_start3A_211, %add3A_210, %dma_start3A_215] : memref<20x4096x1024xf32, #tpu.memory_space<hbm>> -> memref<1x64x1024xf32, #tpu.memory_space<hbm>>
    %dma_start3A_217 = tpu.memref_squeeze %dma_start3A_216 : memref<1x64x1024xf32, #tpu.memory_space<hbm>> -> memref<64x1024xf32, #tpu.memory_space<hbm>>
    tpu.enqueue_dma source(%arg8 : memref<64x1024xf32, #tpu.memory_space<vmem>>) target(%dma_start3A_217 : memref<64x1024xf32, #tpu.memory_space<hbm>>) target_semaphore(%arg9 : memref<!tpu.dma_semaphore, #tpu.memory_space<semaphore_mem>>)
    %add3A_218 = arith.constant 0 : i32
    %add3A_219 = arith.addi %mul3A_2, %add3A_218 : i32
    %dma_start3A_220 = arith.constant 12 : i32
    %dma_start3A_221 = arith.constant 0 : i32
    %dma_start3A_222 = tpu.memref_slice %arg5[%dma_start3A_220, %add3A_219, %dma_start3A_221] : memref<20x4096x1024xf32, #tpu.memory_space<hbm>> -> memref<1x64x1024xf32, #tpu.memory_space<hbm>>
    %dma_start3A_223 = tpu.memref_squeeze %dma_start3A_222 : memref<1x64x1024xf32, #tpu.memory_space<hbm>> -> memref<64x1024xf32, #tpu.memory_space<hbm>>
    %dma_start3A_224 = arith.constant 0 : i32
    %dma_start3A_225 = tpu.memref_slice %arg5[%dma_start3A_220, %add3A_219, %dma_start3A_224] : memref<20x4096x1024xf32, #tpu.memory_space<hbm>> -> memref<1x64x1024xf32, #tpu.memory_space<hbm>>
    %dma_start3A_226 = tpu.memref_squeeze %dma_start3A_225 : memref<1x64x1024xf32, #tpu.memory_space<hbm>> -> memref<64x1024xf32, #tpu.memory_space<hbm>>
    tpu.enqueue_dma source(%arg8 : memref<64x1024xf32, #tpu.memory_space<vmem>>) target(%dma_start3A_226 : memref<64x1024xf32, #tpu.memory_space<hbm>>) target_semaphore(%arg9 : memref<!tpu.dma_semaphore, #tpu.memory_space<semaphore_mem>>)
    %add3A_227 = arith.constant 64 : i32
    %add3A_228 = arith.addi %mul3A_2, %add3A_227 : i32
    %dma_start3A_229 = arith.constant 12 : i32
    %dma_start3A_230 = arith.constant 0 : i32
    %dma_start3A_231 = tpu.memref_slice %arg5[%dma_start3A_229, %add3A_228, %dma_start3A_230] : memref<20x4096x1024xf32, #tpu.memory_space<hbm>> -> memref<1x64x1024xf32, #tpu.memory_space<hbm>>
    %dma_start3A_232 = tpu.memref_squeeze %dma_start3A_231 : memref<1x64x1024xf32, #tpu.memory_space<hbm>> -> memref<64x1024xf32, #tpu.memory_space<hbm>>
    %dma_start3A_233 = arith.constant 0 : i32
    %dma_start3A_234 = tpu.memref_slice %arg5[%dma_start3A_229, %add3A_228, %dma_start3A_233] : memref<20x4096x1024xf32, #tpu.memory_space<hbm>> -> memref<1x64x1024xf32, #tpu.memory_space<hbm>>
    %dma_start3A_235 = tpu.memref_squeeze %dma_start3A_234 : memref<1x64x1024xf32, #tpu.memory_space<hbm>> -> memref<64x1024xf32, #tpu.memory_space<hbm>>
    tpu.enqueue_dma source(%arg8 : memref<64x1024xf32, #tpu.memory_space<vmem>>) target(%dma_start3A_235 : memref<64x1024xf32, #tpu.memory_space<hbm>>) target_semaphore(%arg9 : memref<!tpu.dma_semaphore, #tpu.memory_space<semaphore_mem>>)
    %add3A_236 = arith.constant 0 : i32
    %add3A_237 = arith.addi %mul3A_2, %add3A_236 : i32
    %dma_start3A_238 = arith.constant 13 : i32
    %dma_start3A_239 = arith.constant 0 : i32
    %dma_start3A_240 = tpu.memref_slice %arg5[%dma_start3A_238, %add3A_237, %dma_start3A_239] : memref<20x4096x1024xf32, #tpu.memory_space<hbm>> -> memref<1x64x1024xf32, #tpu.memory_space<hbm>>
    %dma_start3A_241 = tpu.memref_squeeze %dma_start3A_240 : memref<1x64x1024xf32, #tpu.memory_space<hbm>> -> memref<64x1024xf32, #tpu.memory_space<hbm>>
    %dma_start3A_242 = arith.constant 0 : i32
    %dma_start3A_243 = tpu.memref_slice %arg5[%dma_start3A_238, %add3A_237, %dma_start3A_242] : memref<20x4096x1024xf32, #tpu.memory_space<hbm>> -> memref<1x64x1024xf32, #tpu.memory_space<hbm>>
    %dma_start3A_244 = tpu.memref_squeeze %dma_start3A_243 : memref<1x64x1024xf32, #tpu.memory_space<hbm>> -> memref<64x1024xf32, #tpu.memory_space<hbm>>
    tpu.enqueue_dma source(%arg8 : memref<64x1024xf32, #tpu.memory_space<vmem>>) target(%dma_start3A_244 : memref<64x1024xf32, #tpu.memory_space<hbm>>) target_semaphore(%arg9 : memref<!tpu.dma_semaphore, #tpu.memory_space<semaphore_mem>>)
    %add3A_245 = arith.constant 64 : i32
    %add3A_246 = arith.addi %mul3A_2, %add3A_245 : i32
    %dma_start3A_247 = arith.constant 13 : i32
    %dma_start3A_248 = arith.constant 0 : i32
    %dma_start3A_249 = tpu.memref_slice %arg5[%dma_start3A_247, %add3A_246, %dma_start3A_248] : memref<20x4096x1024xf32, #tpu.memory_space<hbm>> -> memref<1x64x1024xf32, #tpu.memory_space<hbm>>
    %dma_start3A_250 = tpu.memref_squeeze %dma_start3A_249 : memref<1x64x1024xf32, #tpu.memory_space<hbm>> -> memref<64x1024xf32, #tpu.memory_space<hbm>>
    %dma_start3A_251 = arith.constant 0 : i32
    %dma_start3A_252 = tpu.memref_slice %arg5[%dma_start3A_247, %add3A_246, %dma_start3A_251] : memref<20x4096x1024xf32, #tpu.memory_space<hbm>> -> memref<1x64x1024xf32, #tpu.memory_space<hbm>>
    %dma_start3A_253 = tpu.memref_squeeze %dma_start3A_252 : memref<1x64x1024xf32, #tpu.memory_space<hbm>> -> memref<64x1024xf32, #tpu.memory_space<hbm>>
    tpu.enqueue_dma source(%arg8 : memref<64x1024xf32, #tpu.memory_space<vmem>>) target(%dma_start3A_253 : memref<64x1024xf32, #tpu.memory_space<hbm>>) target_semaphore(%arg9 : memref<!tpu.dma_semaphore, #tpu.memory_space<semaphore_mem>>)
    %add3A_254 = arith.constant 0 : i32
    %add3A_255 = arith.addi %mul3A_2, %add3A_254 : i32
    %dma_start3A_256 = arith.constant 14 : i32
    %dma_start3A_257 = arith.constant 0 : i32
    %dma_start3A_258 = tpu.memref_slice %arg5[%dma_start3A_256, %add3A_255, %dma_start3A_257] : memref<20x4096x1024xf32, #tpu.memory_space<hbm>> -> memref<1x64x1024xf32, #tpu.memory_space<hbm>>
    %dma_start3A_259 = tpu.memref_squeeze %dma_start3A_258 : memref<1x64x1024xf32, #tpu.memory_space<hbm>> -> memref<64x1024xf32, #tpu.memory_space<hbm>>
    %dma_start3A_260 = arith.constant 0 : i32
    %dma_start3A_261 = tpu.memref_slice %arg5[%dma_start3A_256, %add3A_255, %dma_start3A_260] : memref<20x4096x1024xf32, #tpu.memory_space<hbm>> -> memref<1x64x1024xf32, #tpu.memory_space<hbm>>
    %dma_start3A_262 = tpu.memref_squeeze %dma_start3A_261 : memref<1x64x1024xf32, #tpu.memory_space<hbm>> -> memref<64x1024xf32, #tpu.memory_space<hbm>>
    tpu.enqueue_dma source(%arg8 : memref<64x1024xf32, #tpu.memory_space<vmem>>) target(%dma_start3A_262 : memref<64x1024xf32, #tpu.memory_space<hbm>>) target_semaphore(%arg9 : memref<!tpu.dma_semaphore, #tpu.memory_space<semaphore_mem>>)
    %add3A_263 = arith.constant 64 : i32
    %add3A_264 = arith.addi %mul3A_2, %add3A_263 : i32
    %dma_start3A_265 = arith.constant 14 : i32
    %dma_start3A_266 = arith.constant 0 : i32
    %dma_start3A_267 = tpu.memref_slice %arg5[%dma_start3A_265, %add3A_264, %dma_start3A_266] : memref<20x4096x1024xf32, #tpu.memory_space<hbm>> -> memref<1x64x1024xf32, #tpu.memory_space<hbm>>
    %dma_start3A_268 = tpu.memref_squeeze %dma_start3A_267 : memref<1x64x1024xf32, #tpu.memory_space<hbm>> -> memref<64x1024xf32, #tpu.memory_space<hbm>>
    %dma_start3A_269 = arith.constant 0 : i32
    %dma_start3A_270 = tpu.memref_slice %arg5[%dma_start3A_265, %add3A_264, %dma_start3A_269] : memref<20x4096x1024xf32, #tpu.memory_space<hbm>> -> memref<1x64x1024xf32, #tpu.memory_space<hbm>>
    %dma_start3A_271 = tpu.memref_squeeze %dma_start3A_270 : memref<1x64x1024xf32, #tpu.memory_space<hbm>> -> memref<64x1024xf32, #tpu.memory_space<hbm>>
    tpu.enqueue_dma source(%arg8 : memref<64x1024xf32, #tpu.memory_space<vmem>>) target(%dma_start3A_271 : memref<64x1024xf32, #tpu.memory_space<hbm>>) target_semaphore(%arg9 : memref<!tpu.dma_semaphore, #tpu.memory_space<semaphore_mem>>)
    %add3A_272 = arith.constant 0 : i32
    %add3A_273 = arith.addi %mul3A_2, %add3A_272 : i32
    %dma_start3A_274 = arith.constant 15 : i32
    %dma_start3A_275 = arith.constant 0 : i32
    %dma_start3A_276 = tpu.memref_slice %arg5[%dma_start3A_274, %add3A_273, %dma_start3A_275] : memref<20x4096x1024xf32, #tpu.memory_space<hbm>> -> memref<1x64x1024xf32, #tpu.memory_space<hbm>>
    %dma_start3A_277 = tpu.memref_squeeze %dma_start3A_276 : memref<1x64x1024xf32, #tpu.memory_space<hbm>> -> memref<64x1024xf32, #tpu.memory_space<hbm>>
    %dma_start3A_278 = arith.constant 0 : i32
    %dma_start3A_279 = tpu.memref_slice %arg5[%dma_start3A_274, %add3A_273, %dma_start3A_278] : memref<20x4096x1024xf32, #tpu.memory_space<hbm>> -> memref<1x64x1024xf32, #tpu.memory_space<hbm>>
    %dma_start3A_280 = tpu.memref_squeeze %dma_start3A_279 : memref<1x64x1024xf32, #tpu.memory_space<hbm>> -> memref<64x1024xf32, #tpu.memory_space<hbm>>
    tpu.enqueue_dma source(%arg8 : memref<64x1024xf32, #tpu.memory_space<vmem>>) target(%dma_start3A_280 : memref<64x1024xf32, #tpu.memory_space<hbm>>) target_semaphore(%arg9 : memref<!tpu.dma_semaphore, #tpu.memory_space<semaphore_mem>>)
    %add3A_281 = arith.constant 64 : i32
    %add3A_282 = arith.addi %mul3A_2, %add3A_281 : i32
    %dma_start3A_283 = arith.constant 15 : i32
    %dma_start3A_284 = arith.constant 0 : i32
    %dma_start3A_285 = tpu.memref_slice %arg5[%dma_start3A_283, %add3A_282, %dma_start3A_284] : memref<20x4096x1024xf32, #tpu.memory_space<hbm>> -> memref<1x64x1024xf32, #tpu.memory_space<hbm>>
    %dma_start3A_286 = tpu.memref_squeeze %dma_start3A_285 : memref<1x64x1024xf32, #tpu.memory_space<hbm>> -> memref<64x1024xf32, #tpu.memory_space<hbm>>
    %dma_start3A_287 = arith.constant 0 : i32
    %dma_start3A_288 = tpu.memref_slice %arg5[%dma_start3A_283, %add3A_282, %dma_start3A_287] : memref<20x4096x1024xf32, #tpu.memory_space<hbm>> -> memref<1x64x1024xf32, #tpu.memory_space<hbm>>
    %dma_start3A_289 = tpu.memref_squeeze %dma_start3A_288 : memref<1x64x1024xf32, #tpu.memory_space<hbm>> -> memref<64x1024xf32, #tpu.memory_space<hbm>>
    tpu.enqueue_dma source(%arg8 : memref<64x1024xf32, #tpu.memory_space<vmem>>) target(%dma_start3A_289 : memref<64x1024xf32, #tpu.memory_space<hbm>>) target_semaphore(%arg9 : memref<!tpu.dma_semaphore, #tpu.memory_space<semaphore_mem>>)
    %add3A_290 = arith.constant 0 : i32
    %add3A_291 = arith.addi %mul3A_2, %add3A_290 : i32
    %dma_start3A_292 = arith.constant 16 : i32
    %dma_start3A_293 = arith.constant 0 : i32
    %dma_start3A_294 = tpu.memref_slice %arg5[%dma_start3A_292, %add3A_291, %dma_start3A_293] : memref<20x4096x1024xf32, #tpu.memory_space<hbm>> -> memref<1x64x1024xf32, #tpu.memory_space<hbm>>
    %dma_start3A_295 = tpu.memref_squeeze %dma_start3A_294 : memref<1x64x1024xf32, #tpu.memory_space<hbm>> -> memref<64x1024xf32, #tpu.memory_space<hbm>>
    %dma_start3A_296 = arith.constant 0 : i32
    %dma_start3A_297 = tpu.memref_slice %arg5[%dma_start3A_292, %add3A_291, %dma_start3A_296] : memref<20x4096x1024xf32, #tpu.memory_space<hbm>> -> memref<1x64x1024xf32, #tpu.memory_space<hbm>>
    %dma_start3A_298 = tpu.memref_squeeze %dma_start3A_297 : memref<1x64x1024xf32, #tpu.memory_space<hbm>> -> memref<64x1024xf32, #tpu.memory_space<hbm>>
    tpu.enqueue_dma source(%arg8 : memref<64x1024xf32, #tpu.memory_space<vmem>>) target(%dma_start3A_298 : memref<64x1024xf32, #tpu.memory_space<hbm>>) target_semaphore(%arg9 : memref<!tpu.dma_semaphore, #tpu.memory_space<semaphore_mem>>)
    %add3A_299 = arith.constant 64 : i32
    %add3A_300 = arith.addi %mul3A_2, %add3A_299 : i32
    %dma_start3A_301 = arith.constant 16 : i32
    %dma_start3A_302 = arith.constant 0 : i32
    %dma_start3A_303 = tpu.memref_slice %arg5[%dma_start3A_301, %add3A_300, %dma_start3A_302] : memref<20x4096x1024xf32, #tpu.memory_space<hbm>> -> memref<1x64x1024xf32, #tpu.memory_space<hbm>>
    %dma_start3A_304 = tpu.memref_squeeze %dma_start3A_303 : memref<1x64x1024xf32, #tpu.memory_space<hbm>> -> memref<64x1024xf32, #tpu.memory_space<hbm>>
    %dma_start3A_305 = arith.constant 0 : i32
    %dma_start3A_306 = tpu.memref_slice %arg5[%dma_start3A_301, %add3A_300, %dma_start3A_305] : memref<20x4096x1024xf32, #tpu.memory_space<hbm>> -> memref<1x64x1024xf32, #tpu.memory_space<hbm>>
    %dma_start3A_307 = tpu.memref_squeeze %dma_start3A_306 : memref<1x64x1024xf32, #tpu.memory_space<hbm>> -> memref<64x1024xf32, #tpu.memory_space<hbm>>
    tpu.enqueue_dma source(%arg8 : memref<64x1024xf32, #tpu.memory_space<vmem>>) target(%dma_start3A_307 : memref<64x1024xf32, #tpu.memory_space<hbm>>) target_semaphore(%arg9 : memref<!tpu.dma_semaphore, #tpu.memory_space<semaphore_mem>>)
    %add3A_308 = arith.constant 0 : i32
    %add3A_309 = arith.addi %mul3A_2, %add3A_308 : i32
    %dma_start3A_310 = arith.constant 17 : i32
    %dma_start3A_311 = arith.constant 0 : i32
    %dma_start3A_312 = tpu.memref_slice %arg5[%dma_start3A_310, %add3A_309, %dma_start3A_311] : memref<20x4096x1024xf32, #tpu.memory_space<hbm>> -> memref<1x64x1024xf32, #tpu.memory_space<hbm>>
    %dma_start3A_313 = tpu.memref_squeeze %dma_start3A_312 : memref<1x64x1024xf32, #tpu.memory_space<hbm>> -> memref<64x1024xf32, #tpu.memory_space<hbm>>
    %dma_start3A_314 = arith.constant 0 : i32
    %dma_start3A_315 = tpu.memref_slice %arg5[%dma_start3A_310, %add3A_309, %dma_start3A_314] : memref<20x4096x1024xf32, #tpu.memory_space<hbm>> -> memref<1x64x1024xf32, #tpu.memory_space<hbm>>
    %dma_start3A_316 = tpu.memref_squeeze %dma_start3A_315 : memref<1x64x1024xf32, #tpu.memory_space<hbm>> -> memref<64x1024xf32, #tpu.memory_space<hbm>>
    tpu.enqueue_dma source(%arg8 : memref<64x1024xf32, #tpu.memory_space<vmem>>) target(%dma_start3A_316 : memref<64x1024xf32, #tpu.memory_space<hbm>>) target_semaphore(%arg9 : memref<!tpu.dma_semaphore, #tpu.memory_space<semaphore_mem>>)
    %add3A_317 = arith.constant 64 : i32
    %add3A_318 = arith.addi %mul3A_2, %add3A_317 : i32
    %dma_start3A_319 = arith.constant 17 : i32
    %dma_start3A_320 = arith.constant 0 : i32
    %dma_start3A_321 = tpu.memref_slice %arg5[%dma_start3A_319, %add3A_318, %dma_start3A_320] : memref<20x4096x1024xf32, #tpu.memory_space<hbm>> -> memref<1x64x1024xf32, #tpu.memory_space<hbm>>
    %dma_start3A_322 = tpu.memref_squeeze %dma_start3A_321 : memref<1x64x1024xf32, #tpu.memory_space<hbm>> -> memref<64x1024xf32, #tpu.memory_space<hbm>>
    %dma_start3A_323 = arith.constant 0 : i32
    %dma_start3A_324 = tpu.memref_slice %arg5[%dma_start3A_319, %add3A_318, %dma_start3A_323] : memref<20x4096x1024xf32, #tpu.memory_space<hbm>> -> memref<1x64x1024xf32, #tpu.memory_space<hbm>>
    %dma_start3A_325 = tpu.memref_squeeze %dma_start3A_324 : memref<1x64x1024xf32, #tpu.memory_space<hbm>> -> memref<64x1024xf32, #tpu.memory_space<hbm>>
    tpu.enqueue_dma source(%arg8 : memref<64x1024xf32, #tpu.memory_space<vmem>>) target(%dma_start3A_325 : memref<64x1024xf32, #tpu.memory_space<hbm>>) target_semaphore(%arg9 : memref<!tpu.dma_semaphore, #tpu.memory_space<semaphore_mem>>)
    %add3A_326 = arith.constant 0 : i32
    %add3A_327 = arith.addi %mul3A_2, %add3A_326 : i32
    %dma_start3A_328 = arith.constant 18 : i32
    %dma_start3A_329 = arith.constant 0 : i32
    %dma_start3A_330 = tpu.memref_slice %arg5[%dma_start3A_328, %add3A_327, %dma_start3A_329] : memref<20x4096x1024xf32, #tpu.memory_space<hbm>> -> memref<1x64x1024xf32, #tpu.memory_space<hbm>>
    %dma_start3A_331 = tpu.memref_squeeze %dma_start3A_330 : memref<1x64x1024xf32, #tpu.memory_space<hbm>> -> memref<64x1024xf32, #tpu.memory_space<hbm>>
    %dma_start3A_332 = arith.constant 0 : i32
    %dma_start3A_333 = tpu.memref_slice %arg5[%dma_start3A_328, %add3A_327, %dma_start3A_332] : memref<20x4096x1024xf32, #tpu.memory_space<hbm>> -> memref<1x64x1024xf32, #tpu.memory_space<hbm>>
    %dma_start3A_334 = tpu.memref_squeeze %dma_start3A_333 : memref<1x64x1024xf32, #tpu.memory_space<hbm>> -> memref<64x1024xf32, #tpu.memory_space<hbm>>
    tpu.enqueue_dma source(%arg8 : memref<64x1024xf32, #tpu.memory_space<vmem>>) target(%dma_start3A_334 : memref<64x1024xf32, #tpu.memory_space<hbm>>) target_semaphore(%arg9 : memref<!tpu.dma_semaphore, #tpu.memory_space<semaphore_mem>>)
    %add3A_335 = arith.constant 64 : i32
    %add3A_336 = arith.addi %mul3A_2, %add3A_335 : i32
    %dma_start3A_337 = arith.constant 18 : i32
    %dma_start3A_338 = arith.constant 0 : i32
    %dma_start3A_339 = tpu.memref_slice %arg5[%dma_start3A_337, %add3A_336, %dma_start3A_338] : memref<20x4096x1024xf32, #tpu.memory_space<hbm>> -> memref<1x64x1024xf32, #tpu.memory_space<hbm>>
    %dma_start3A_340 = tpu.memref_squeeze %dma_start3A_339 : memref<1x64x1024xf32, #tpu.memory_space<hbm>> -> memref<64x1024xf32, #tpu.memory_space<hbm>>
    %dma_start3A_341 = arith.constant 0 : i32
    %dma_start3A_342 = tpu.memref_slice %arg5[%dma_start3A_337, %add3A_336, %dma_start3A_341] : memref<20x4096x1024xf32, #tpu.memory_space<hbm>> -> memref<1x64x1024xf32, #tpu.memory_space<hbm>>
    %dma_start3A_343 = tpu.memref_squeeze %dma_start3A_342 : memref<1x64x1024xf32, #tpu.memory_space<hbm>> -> memref<64x1024xf32, #tpu.memory_space<hbm>>
    tpu.enqueue_dma source(%arg8 : memref<64x1024xf32, #tpu.memory_space<vmem>>) target(%dma_start3A_343 : memref<64x1024xf32, #tpu.memory_space<hbm>>) target_semaphore(%arg9 : memref<!tpu.dma_semaphore, #tpu.memory_space<semaphore_mem>>)
    %add3A_344 = arith.constant 0 : i32
    %add3A_345 = arith.addi %mul3A_2, %add3A_344 : i32
    %dma_start3A_346 = arith.constant 19 : i32
    %dma_start3A_347 = arith.constant 0 : i32
    %dma_start3A_348 = tpu.memref_slice %arg5[%dma_start3A_346, %add3A_345, %dma_start3A_347] : memref<20x4096x1024xf32, #tpu.memory_space<hbm>> -> memref<1x64x1024xf32, #tpu.memory_space<hbm>>
    %dma_start3A_349 = tpu.memref_squeeze %dma_start3A_348 : memref<1x64x1024xf32, #tpu.memory_space<hbm>> -> memref<64x1024xf32, #tpu.memory_space<hbm>>
    %dma_start3A_350 = arith.constant 0 : i32
    %dma_start3A_351 = tpu.memref_slice %arg5[%dma_start3A_346, %add3A_345, %dma_start3A_350] : memref<20x4096x1024xf32, #tpu.memory_space<hbm>> -> memref<1x64x1024xf32, #tpu.memory_space<hbm>>
    %dma_start3A_352 = tpu.memref_squeeze %dma_start3A_351 : memref<1x64x1024xf32, #tpu.memory_space<hbm>> -> memref<64x1024xf32, #tpu.memory_space<hbm>>
    tpu.enqueue_dma source(%arg8 : memref<64x1024xf32, #tpu.memory_space<vmem>>) target(%dma_start3A_352 : memref<64x1024xf32, #tpu.memory_space<hbm>>) target_semaphore(%arg9 : memref<!tpu.dma_semaphore, #tpu.memory_space<semaphore_mem>>)
    %add3A_353 = arith.constant 64 : i32
    %add3A_354 = arith.addi %mul3A_2, %add3A_353 : i32
    %dma_start3A_355 = arith.constant 19 : i32
    %dma_start3A_356 = arith.constant 0 : i32
    %dma_start3A_357 = tpu.memref_slice %arg5[%dma_start3A_355, %add3A_354, %dma_start3A_356] : memref<20x4096x1024xf32, #tpu.memory_space<hbm>> -> memref<1x64x1024xf32, #tpu.memory_space<hbm>>
    %dma_start3A_358 = tpu.memref_squeeze %dma_start3A_357 : memref<1x64x1024xf32, #tpu.memory_space<hbm>> -> memref<64x1024xf32, #tpu.memory_space<hbm>>
    %dma_start3A_359 = arith.constant 0 : i32
    %dma_start3A_360 = tpu.memref_slice %arg5[%dma_start3A_355, %add3A_354, %dma_start3A_359] : memref<20x4096x1024xf32, #tpu.memory_space<hbm>> -> memref<1x64x1024xf32, #tpu.memory_space<hbm>>
    %dma_start3A_361 = tpu.memref_squeeze %dma_start3A_360 : memref<1x64x1024xf32, #tpu.memory_space<hbm>> -> memref<64x1024xf32, #tpu.memory_space<hbm>>
    tpu.enqueue_dma source(%arg8 : memref<64x1024xf32, #tpu.memory_space<vmem>>) target(%dma_start3A_361 : memref<64x1024xf32, #tpu.memory_space<hbm>>) target_semaphore(%arg9 : memref<!tpu.dma_semaphore, #tpu.memory_space<semaphore_mem>>)
    %add3A_362 = arith.constant 0 : i32
    %add3A_363 = vector.broadcast %add3A_362 : i32 to vector<16xi32>
    %add3A_364 = arith.addi %add3A_363, %iota3A : vector<16xi32>
    %broadcast_in_dim3A = arith.constant 0 : i32
    %broadcast_in_dim3A_365 = vector.broadcast %broadcast_in_dim3A : i32 to vector<16xi32>
    %scan3A = arith.constant 0 : i32
    %scan3A_366 = arith.constant 20 : i32
    %scan3A_367 = arith.addi %scan3A, %scan3A_366 : i32
    %scan3A_368 = arith.constant 1 : i32
    %scan3A_369 = scf.for %scan3A_807 = %scan3A to %scan3A_367 step %scan3A_368 iter_args(%scan3A_808 = %broadcast_in_dim3A_365) -> (vector<16xi32>)  : i32 {
      %broadcast_in_dim3A_809 = arith.constant 0 : i32
      %broadcast_in_dim3A_810 = vector.broadcast %broadcast_in_dim3A_809 : i32 to vector<16xi32>
      %add3A_811 = vector.broadcast %scan3A_807 : i32 to vector<16xi32>
      %add3A_812 = arith.addi %broadcast_in_dim3A_810, %add3A_811 : vector<16xi32>
      %gather3A = tpu.vector_load_idx %arg6[%add3A_812, %add3A_364] : memref<20x128xf32, #tpu.memory_space<vmem>>[vector<16xi32>, vector<16xi32>], vector<16xf32>,
      %convert_element_type3A = arith.fptosi %gather3A : vector<16xf32> to vector<16xi32>
      %eq3A = arith.constant 0 : i32
      %eq3A_813 = vector.broadcast %eq3A : i32 to vector<16xi32>
      %eq3A_814 = arith.cmpi eq, %convert_element_type3A, %eq3A_813 : vector<16xi32>
      %convert_element_type3A_815 = arith.extui %eq3A_814 : vector<16xi1> to vector<16xi32>
      %or3A = arith.ori %scan3A_808, %convert_element_type3A_815 : vector<16xi32>
      %eq3A_816 = arith.constant 1 : i32
      %eq3A_817 = vector.broadcast %eq3A_816 : i32 to vector<16xi32>
      %eq3A_818 = arith.cmpi eq, %or3A, %eq3A_817 : vector<16xi32>
      %jit3A = arith.constant 0 : i32
      %broadcast_in_dim3A_819 = vector.broadcast %jit3A : i32 to vector<16xi32>
      %select_n3A = arith.select %eq3A_818, %broadcast_in_dim3A_819, %convert_element_type3A : vector<16xi1>, vector<16xi32>
      tpu.vector_store_idx %arg7[%add3A_812, %add3A_364], %select_n3A : memref<20x128xi32, #tpu.memory_space<vmem>>[vector<16xi32>, vector<16xi32>], vector<16xi32>,
      scf.yield %or3A : vector<16xi32>
    }
    %scan3A_370 = arith.constant 20 : i32
    %add3A_371 = arith.constant 16 : i32
    %add3A_372 = vector.broadcast %add3A_371 : i32 to vector<16xi32>
    %add3A_373 = arith.addi %add3A_372, %iota3A : vector<16xi32>
    %broadcast_in_dim3A_374 = arith.constant 0 : i32
    %broadcast_in_dim3A_375 = vector.broadcast %broadcast_in_dim3A_374 : i32 to vector<16xi32>
    %scan3A_376 = arith.constant 0 : i32
    %scan3A_377 = arith.constant 20 : i32
    %scan3A_378 = arith.addi %scan3A_376, %scan3A_377 : i32
    %scan3A_379 = arith.constant 1 : i32
    %scan3A_380 = scf.for %scan3A_807 = %scan3A_376 to %scan3A_378 step %scan3A_379 iter_args(%scan3A_808 = %broadcast_in_dim3A_375) -> (vector<16xi32>)  : i32 {
      %broadcast_in_dim3A_809 = arith.constant 0 : i32
      %broadcast_in_dim3A_810 = vector.broadcast %broadcast_in_dim3A_809 : i32 to vector<16xi32>
      %add3A_811 = vector.broadcast %scan3A_807 : i32 to vector<16xi32>
      %add3A_812 = arith.addi %broadcast_in_dim3A_810, %add3A_811 : vector<16xi32>
      %gather3A = tpu.vector_load_idx %arg6[%add3A_812, %add3A_373] : memref<20x128xf32, #tpu.memory_space<vmem>>[vector<16xi32>, vector<16xi32>], vector<16xf32>,
      %convert_element_type3A = arith.fptosi %gather3A : vector<16xf32> to vector<16xi32>
      %eq3A = arith.constant 0 : i32
      %eq3A_813 = vector.broadcast %eq3A : i32 to vector<16xi32>
      %eq3A_814 = arith.cmpi eq, %convert_element_type3A, %eq3A_813 : vector<16xi32>
      %convert_element_type3A_815 = arith.extui %eq3A_814 : vector<16xi1> to vector<16xi32>
      %or3A = arith.ori %scan3A_808, %convert_element_type3A_815 : vector<16xi32>
      %eq3A_816 = arith.constant 1 : i32
      %eq3A_817 = vector.broadcast %eq3A_816 : i32 to vector<16xi32>
      %eq3A_818 = arith.cmpi eq, %or3A, %eq3A_817 : vector<16xi32>
      %jit3A = arith.constant 0 : i32
      %broadcast_in_dim3A_819 = vector.broadcast %jit3A : i32 to vector<16xi32>
      %select_n3A = arith.select %eq3A_818, %broadcast_in_dim3A_819, %convert_element_type3A : vector<16xi1>, vector<16xi32>
      tpu.vector_store_idx %arg7[%add3A_812, %add3A_373], %select_n3A : memref<20x128xi32, #tpu.memory_space<vmem>>[vector<16xi32>, vector<16xi32>], vector<16xi32>,
      scf.yield %or3A : vector<16xi32>
    }
    %scan3A_381 = arith.constant 20 : i32
    %add3A_382 = arith.constant 32 : i32
    %add3A_383 = vector.broadcast %add3A_382 : i32 to vector<16xi32>
    %add3A_384 = arith.addi %add3A_383, %iota3A : vector<16xi32>
    %broadcast_in_dim3A_385 = arith.constant 0 : i32
    %broadcast_in_dim3A_386 = vector.broadcast %broadcast_in_dim3A_385 : i32 to vector<16xi32>
    %scan3A_387 = arith.constant 0 : i32
    %scan3A_388 = arith.constant 20 : i32
    %scan3A_389 = arith.addi %scan3A_387, %scan3A_388 : i32
    %scan3A_390 = arith.constant 1 : i32
    %scan3A_391 = scf.for %scan3A_807 = %scan3A_387 to %scan3A_389 step %scan3A_390 iter_args(%scan3A_808 = %broadcast_in_dim3A_386) -> (vector<16xi32>)  : i32 {
      %broadcast_in_dim3A_809 = arith.constant 0 : i32
      %broadcast_in_dim3A_810 = vector.broadcast %broadcast_in_dim3A_809 : i32 to vector<16xi32>
      %add3A_811 = vector.broadcast %scan3A_807 : i32 to vector<16xi32>
      %add3A_812 = arith.addi %broadcast_in_dim3A_810, %add3A_811 : vector<16xi32>
      %gather3A = tpu.vector_load_idx %arg6[%add3A_812, %add3A_384] : memref<20x128xf32, #tpu.memory_space<vmem>>[vector<16xi32>, vector<16xi32>], vector<16xf32>,
      %convert_element_type3A = arith.fptosi %gather3A : vector<16xf32> to vector<16xi32>
      %eq3A = arith.constant 0 : i32
      %eq3A_813 = vector.broadcast %eq3A : i32 to vector<16xi32>
      %eq3A_814 = arith.cmpi eq, %convert_element_type3A, %eq3A_813 : vector<16xi32>
      %convert_element_type3A_815 = arith.extui %eq3A_814 : vector<16xi1> to vector<16xi32>
      %or3A = arith.ori %scan3A_808, %convert_element_type3A_815 : vector<16xi32>
      %eq3A_816 = arith.constant 1 : i32
      %eq3A_817 = vector.broadcast %eq3A_816 : i32 to vector<16xi32>
      %eq3A_818 = arith.cmpi eq, %or3A, %eq3A_817 : vector<16xi32>
      %jit3A = arith.constant 0 : i32
      %broadcast_in_dim3A_819 = vector.broadcast %jit3A : i32 to vector<16xi32>
      %select_n3A = arith.select %eq3A_818, %broadcast_in_dim3A_819, %convert_element_type3A : vector<16xi1>, vector<16xi32>
      tpu.vector_store_idx %arg7[%add3A_812, %add3A_384], %select_n3A : memref<20x128xi32, #tpu.memory_space<vmem>>[vector<16xi32>, vector<16xi32>], vector<16xi32>,
      scf.yield %or3A : vector<16xi32>
    }
    %scan3A_392 = arith.constant 20 : i32
    %add3A_393 = arith.constant 48 : i32
    %add3A_394 = vector.broadcast %add3A_393 : i32 to vector<16xi32>
    %add3A_395 = arith.addi %add3A_394, %iota3A : vector<16xi32>
    %broadcast_in_dim3A_396 = arith.constant 0 : i32
    %broadcast_in_dim3A_397 = vector.broadcast %broadcast_in_dim3A_396 : i32 to vector<16xi32>
    %scan3A_398 = arith.constant 0 : i32
    %scan3A_399 = arith.constant 20 : i32
    %scan3A_400 = arith.addi %scan3A_398, %scan3A_399 : i32
    %scan3A_401 = arith.constant 1 : i32
    %scan3A_402 = scf.for %scan3A_807 = %scan3A_398 to %scan3A_400 step %scan3A_401 iter_args(%scan3A_808 = %broadcast_in_dim3A_397) -> (vector<16xi32>)  : i32 {
      %broadcast_in_dim3A_809 = arith.constant 0 : i32
      %broadcast_in_dim3A_810 = vector.broadcast %broadcast_in_dim3A_809 : i32 to vector<16xi32>
      %add3A_811 = vector.broadcast %scan3A_807 : i32 to vector<16xi32>
      %add3A_812 = arith.addi %broadcast_in_dim3A_810, %add3A_811 : vector<16xi32>
      %gather3A = tpu.vector_load_idx %arg6[%add3A_812, %add3A_395] : memref<20x128xf32, #tpu.memory_space<vmem>>[vector<16xi32>, vector<16xi32>], vector<16xf32>,
      %convert_element_type3A = arith.fptosi %gather3A : vector<16xf32> to vector<16xi32>
      %eq3A = arith.constant 0 : i32
      %eq3A_813 = vector.broadcast %eq3A : i32 to vector<16xi32>
      %eq3A_814 = arith.cmpi eq, %convert_element_type3A, %eq3A_813 : vector<16xi32>
      %convert_element_type3A_815 = arith.extui %eq3A_814 : vector<16xi1> to vector<16xi32>
      %or3A = arith.ori %scan3A_808, %convert_element_type3A_815 : vector<16xi32>
      %eq3A_816 = arith.constant 1 : i32
      %eq3A_817 = vector.broadcast %eq3A_816 : i32 to vector<16xi32>
      %eq3A_818 = arith.cmpi eq, %or3A, %eq3A_817 : vector<16xi32>
      %jit3A = arith.constant 0 : i32
      %broadcast_in_dim3A_819 = vector.broadcast %jit3A : i32 to vector<16xi32>
      %select_n3A = arith.select %eq3A_818, %broadcast_in_dim3A_819, %convert_element_type3A : vector<16xi1>, vector<16xi32>
      tpu.vector_store_idx %arg7[%add3A_812, %add3A_395], %select_n3A : memref<20x128xi32, #tpu.memory_space<vmem>>[vector<16xi32>, vector<16xi32>], vector<16xi32>,
      scf.yield %or3A : vector<16xi32>
    }
    %scan3A_403 = arith.constant 20 : i32
    %add3A_404 = arith.constant 64 : i32
    %add3A_405 = vector.broadcast %add3A_404 : i32 to vector<16xi32>
    %add3A_406 = arith.addi %add3A_405, %iota3A : vector<16xi32>
    %broadcast_in_dim3A_407 = arith.constant 0 : i32
    %broadcast_in_dim3A_408 = vector.broadcast %broadcast_in_dim3A_407 : i32 to vector<16xi32>
    %scan3A_409 = arith.constant 0 : i32
    %scan3A_410 = arith.constant 20 : i32
    %scan3A_411 = arith.addi %scan3A_409, %scan3A_410 : i32
    %scan3A_412 = arith.constant 1 : i32
    %scan3A_413 = scf.for %scan3A_807 = %scan3A_409 to %scan3A_411 step %scan3A_412 iter_args(%scan3A_808 = %broadcast_in_dim3A_408) -> (vector<16xi32>)  : i32 {
      %broadcast_in_dim3A_809 = arith.constant 0 : i32
      %broadcast_in_dim3A_810 = vector.broadcast %broadcast_in_dim3A_809 : i32 to vector<16xi32>
      %add3A_811 = vector.broadcast %scan3A_807 : i32 to vector<16xi32>
      %add3A_812 = arith.addi %broadcast_in_dim3A_810, %add3A_811 : vector<16xi32>
      %gather3A = tpu.vector_load_idx %arg6[%add3A_812, %add3A_406] : memref<20x128xf32, #tpu.memory_space<vmem>>[vector<16xi32>, vector<16xi32>], vector<16xf32>,
      %convert_element_type3A = arith.fptosi %gather3A : vector<16xf32> to vector<16xi32>
      %eq3A = arith.constant 0 : i32
      %eq3A_813 = vector.broadcast %eq3A : i32 to vector<16xi32>
      %eq3A_814 = arith.cmpi eq, %convert_element_type3A, %eq3A_813 : vector<16xi32>
      %convert_element_type3A_815 = arith.extui %eq3A_814 : vector<16xi1> to vector<16xi32>
      %or3A = arith.ori %scan3A_808, %convert_element_type3A_815 : vector<16xi32>
      %eq3A_816 = arith.constant 1 : i32
      %eq3A_817 = vector.broadcast %eq3A_816 : i32 to vector<16xi32>
      %eq3A_818 = arith.cmpi eq, %or3A, %eq3A_817 : vector<16xi32>
      %jit3A = arith.constant 0 : i32
      %broadcast_in_dim3A_819 = vector.broadcast %jit3A : i32 to vector<16xi32>
      %select_n3A = arith.select %eq3A_818, %broadcast_in_dim3A_819, %convert_element_type3A : vector<16xi1>, vector<16xi32>
      tpu.vector_store_idx %arg7[%add3A_812, %add3A_406], %select_n3A : memref<20x128xi32, #tpu.memory_space<vmem>>[vector<16xi32>, vector<16xi32>], vector<16xi32>,
      scf.yield %or3A : vector<16xi32>
    }
    %scan3A_414 = arith.constant 20 : i32
    %add3A_415 = arith.constant 80 : i32
    %add3A_416 = vector.broadcast %add3A_415 : i32 to vector<16xi32>
    %add3A_417 = arith.addi %add3A_416, %iota3A : vector<16xi32>
    %broadcast_in_dim3A_418 = arith.constant 0 : i32
    %broadcast_in_dim3A_419 = vector.broadcast %broadcast_in_dim3A_418 : i32 to vector<16xi32>
    %scan3A_420 = arith.constant 0 : i32
    %scan3A_421 = arith.constant 20 : i32
    %scan3A_422 = arith.addi %scan3A_420, %scan3A_421 : i32
    %scan3A_423 = arith.constant 1 : i32
    %scan3A_424 = scf.for %scan3A_807 = %scan3A_420 to %scan3A_422 step %scan3A_423 iter_args(%scan3A_808 = %broadcast_in_dim3A_419) -> (vector<16xi32>)  : i32 {
      %broadcast_in_dim3A_809 = arith.constant 0 : i32
      %broadcast_in_dim3A_810 = vector.broadcast %broadcast_in_dim3A_809 : i32 to vector<16xi32>
      %add3A_811 = vector.broadcast %scan3A_807 : i32 to vector<16xi32>
      %add3A_812 = arith.addi %broadcast_in_dim3A_810, %add3A_811 : vector<16xi32>
      %gather3A = tpu.vector_load_idx %arg6[%add3A_812, %add3A_417] : memref<20x128xf32, #tpu.memory_space<vmem>>[vector<16xi32>, vector<16xi32>], vector<16xf32>,
      %convert_element_type3A = arith.fptosi %gather3A : vector<16xf32> to vector<16xi32>
      %eq3A = arith.constant 0 : i32
      %eq3A_813 = vector.broadcast %eq3A : i32 to vector<16xi32>
      %eq3A_814 = arith.cmpi eq, %convert_element_type3A, %eq3A_813 : vector<16xi32>
      %convert_element_type3A_815 = arith.extui %eq3A_814 : vector<16xi1> to vector<16xi32>
      %or3A = arith.ori %scan3A_808, %convert_element_type3A_815 : vector<16xi32>
      %eq3A_816 = arith.constant 1 : i32
      %eq3A_817 = vector.broadcast %eq3A_816 : i32 to vector<16xi32>
      %eq3A_818 = arith.cmpi eq, %or3A, %eq3A_817 : vector<16xi32>
      %jit3A = arith.constant 0 : i32
      %broadcast_in_dim3A_819 = vector.broadcast %jit3A : i32 to vector<16xi32>
      %select_n3A = arith.select %eq3A_818, %broadcast_in_dim3A_819, %convert_element_type3A : vector<16xi1>, vector<16xi32>
      tpu.vector_store_idx %arg7[%add3A_812, %add3A_417], %select_n3A : memref<20x128xi32, #tpu.memory_space<vmem>>[vector<16xi32>, vector<16xi32>], vector<16xi32>,
      scf.yield %or3A : vector<16xi32>
    }
    %scan3A_425 = arith.constant 20 : i32
    %add3A_426 = arith.constant 96 : i32
    %add3A_427 = vector.broadcast %add3A_426 : i32 to vector<16xi32>
    %add3A_428 = arith.addi %add3A_427, %iota3A : vector<16xi32>
    %broadcast_in_dim3A_429 = arith.constant 0 : i32
    %broadcast_in_dim3A_430 = vector.broadcast %broadcast_in_dim3A_429 : i32 to vector<16xi32>
    %scan3A_431 = arith.constant 0 : i32
    %scan3A_432 = arith.constant 20 : i32
    %scan3A_433 = arith.addi %scan3A_431, %scan3A_432 : i32
    %scan3A_434 = arith.constant 1 : i32
    %scan3A_435 = scf.for %scan3A_807 = %scan3A_431 to %scan3A_433 step %scan3A_434 iter_args(%scan3A_808 = %broadcast_in_dim3A_430) -> (vector<16xi32>)  : i32 {
      %broadcast_in_dim3A_809 = arith.constant 0 : i32
      %broadcast_in_dim3A_810 = vector.broadcast %broadcast_in_dim3A_809 : i32 to vector<16xi32>
      %add3A_811 = vector.broadcast %scan3A_807 : i32 to vector<16xi32>
      %add3A_812 = arith.addi %broadcast_in_dim3A_810, %add3A_811 : vector<16xi32>
      %gather3A = tpu.vector_load_idx %arg6[%add3A_812, %add3A_428] : memref<20x128xf32, #tpu.memory_space<vmem>>[vector<16xi32>, vector<16xi32>], vector<16xf32>,
      %convert_element_type3A = arith.fptosi %gather3A : vector<16xf32> to vector<16xi32>
      %eq3A = arith.constant 0 : i32
      %eq3A_813 = vector.broadcast %eq3A : i32 to vector<16xi32>
      %eq3A_814 = arith.cmpi eq, %convert_element_type3A, %eq3A_813 : vector<16xi32>
      %convert_element_type3A_815 = arith.extui %eq3A_814 : vector<16xi1> to vector<16xi32>
      %or3A = arith.ori %scan3A_808, %convert_element_type3A_815 : vector<16xi32>
      %eq3A_816 = arith.constant 1 : i32
      %eq3A_817 = vector.broadcast %eq3A_816 : i32 to vector<16xi32>
      %eq3A_818 = arith.cmpi eq, %or3A, %eq3A_817 : vector<16xi32>
      %jit3A = arith.constant 0 : i32
      %broadcast_in_dim3A_819 = vector.broadcast %jit3A : i32 to vector<16xi32>
      %select_n3A = arith.select %eq3A_818, %broadcast_in_dim3A_819, %convert_element_type3A : vector<16xi1>, vector<16xi32>
      tpu.vector_store_idx %arg7[%add3A_812, %add3A_428], %select_n3A : memref<20x128xi32, #tpu.memory_space<vmem>>[vector<16xi32>, vector<16xi32>], vector<16xi32>,
      scf.yield %or3A : vector<16xi32>
    }
    %scan3A_436 = arith.constant 20 : i32
    %add3A_437 = arith.constant 112 : i32
    %add3A_438 = vector.broadcast %add3A_437 : i32 to vector<16xi32>
    %add3A_439 = arith.addi %add3A_438, %iota3A : vector<16xi32>
    %broadcast_in_dim3A_440 = arith.constant 0 : i32
    %broadcast_in_dim3A_441 = vector.broadcast %broadcast_in_dim3A_440 : i32 to vector<16xi32>
    %scan3A_442 = arith.constant 0 : i32
    %scan3A_443 = arith.constant 20 : i32
    %scan3A_444 = arith.addi %scan3A_442, %scan3A_443 : i32
    %scan3A_445 = arith.constant 1 : i32
    %scan3A_446 = scf.for %scan3A_807 = %scan3A_442 to %scan3A_444 step %scan3A_445 iter_args(%scan3A_808 = %broadcast_in_dim3A_441) -> (vector<16xi32>)  : i32 {
      %broadcast_in_dim3A_809 = arith.constant 0 : i32
      %broadcast_in_dim3A_810 = vector.broadcast %broadcast_in_dim3A_809 : i32 to vector<16xi32>
      %add3A_811 = vector.broadcast %scan3A_807 : i32 to vector<16xi32>
      %add3A_812 = arith.addi %broadcast_in_dim3A_810, %add3A_811 : vector<16xi32>
      %gather3A = tpu.vector_load_idx %arg6[%add3A_812, %add3A_439] : memref<20x128xf32, #tpu.memory_space<vmem>>[vector<16xi32>, vector<16xi32>], vector<16xf32>,
      %convert_element_type3A = arith.fptosi %gather3A : vector<16xf32> to vector<16xi32>
      %eq3A = arith.constant 0 : i32
      %eq3A_813 = vector.broadcast %eq3A : i32 to vector<16xi32>
      %eq3A_814 = arith.cmpi eq, %convert_element_type3A, %eq3A_813 : vector<16xi32>
      %convert_element_type3A_815 = arith.extui %eq3A_814 : vector<16xi1> to vector<16xi32>
      %or3A = arith.ori %scan3A_808, %convert_element_type3A_815 : vector<16xi32>
      %eq3A_816 = arith.constant 1 : i32
      %eq3A_817 = vector.broadcast %eq3A_816 : i32 to vector<16xi32>
      %eq3A_818 = arith.cmpi eq, %or3A, %eq3A_817 : vector<16xi32>
      %jit3A = arith.constant 0 : i32
      %broadcast_in_dim3A_819 = vector.broadcast %jit3A : i32 to vector<16xi32>
      %select_n3A = arith.select %eq3A_818, %broadcast_in_dim3A_819, %convert_element_type3A : vector<16xi1>, vector<16xi32>
      tpu.vector_store_idx %arg7[%add3A_812, %add3A_439], %select_n3A : memref<20x128xi32, #tpu.memory_space<vmem>>[vector<16xi32>, vector<16xi32>], vector<16xi32>,
      scf.yield %or3A : vector<16xi32>
    }
    %scan3A_447 = arith.constant 20 : i32
    "tpu.region"() ({
      %run_scoped3A = tpu.sem_alloc : memref<!tpu.dma_semaphore, #tpu.memory_space<semaphore_mem>>
      %dma_start3A_807 = arith.constant 0 : i32
      %dma_start3A_808 = tpu.memref_slice %arg4[%dma_start3A_807, %mul3A_2] : memref<20x4096xi32, #tpu.memory_space<hbm>> -> memref<20x128xi32, #tpu.memory_space<hbm>>
      %dma_start3A_809 = arith.constant 0 : i32
      %dma_start3A_810 = tpu.memref_slice %arg4[%dma_start3A_809, %mul3A_2] : memref<20x4096xi32, #tpu.memory_space<hbm>> -> memref<20x128xi32, #tpu.memory_space<hbm>>
      tpu.enqueue_dma source(%arg7 : memref<20x128xi32, #tpu.memory_space<vmem>>) target(%dma_start3A_810 : memref<20x128xi32, #tpu.memory_space<hbm>>) target_semaphore(%run_scoped3A : memref<!tpu.dma_semaphore, #tpu.memory_space<semaphore_mem>>)
      %dma_wait3A_811 = arith.constant 0 : i32
      %dma_wait3A_812 = tpu.memref_slice %arg4[%dma_wait3A_811, %mul3A_2] : memref<20x4096xi32, #tpu.memory_space<hbm>> -> memref<20x128xi32, #tpu.memory_space<hbm>>
      %dma_wait3A_813 = arith.constant 0 : i32
      %dma_wait3A_814 = tpu.memref_slice %arg4[%dma_wait3A_813, %mul3A_2] : memref<20x4096xi32, #tpu.memory_space<hbm>> -> memref<20x128xi32, #tpu.memory_space<hbm>>
      tpu.wait_dma2 semaphore(%run_scoped3A : memref<!tpu.dma_semaphore, #tpu.memory_space<semaphore_mem>>) src(%arg7 : memref<20x128xi32, #tpu.memory_space<vmem>>) dst(%dma_wait3A_814 : memref<20x128xi32, #tpu.memory_space<hbm>>)
      tpu.yield
    }) : () -> ()
    %add3A_448 = arith.constant 0 : i32
    %add3A_449 = arith.addi %mul3A_2, %add3A_448 : i32
    %dma_wait3A = arith.constant 0 : i32
    %dma_wait3A_450 = arith.constant 0 : i32
    %dma_wait3A_451 = tpu.memref_slice %arg5[%dma_wait3A, %add3A_449, %dma_wait3A_450] : memref<20x4096x1024xf32, #tpu.memory_space<hbm>> -> memref<1x64x1024xf32, #tpu.memory_space<hbm>>
    %dma_wait3A_452 = tpu.memref_squeeze %dma_wait3A_451 : memref<1x64x1024xf32, #tpu.memory_space<hbm>> -> memref<64x1024xf32, #tpu.memory_space<hbm>>
    %dma_wait3A_453 = arith.constant 0 : i32
    %dma_wait3A_454 = tpu.memref_slice %arg5[%dma_wait3A, %add3A_449, %dma_wait3A_453] : memref<20x4096x1024xf32, #tpu.memory_space<hbm>> -> memref<1x64x1024xf32, #tpu.memory_space<hbm>>
    %dma_wait3A_455 = tpu.memref_squeeze %dma_wait3A_454 : memref<1x64x1024xf32, #tpu.memory_space<hbm>> -> memref<64x1024xf32, #tpu.memory_space<hbm>>
    tpu.wait_dma2 semaphore(%arg9 : memref<!tpu.dma_semaphore, #tpu.memory_space<semaphore_mem>>) src(%arg8 : memref<64x1024xf32, #tpu.memory_space<vmem>>) dst(%dma_wait3A_455 : memref<64x1024xf32, #tpu.memory_space<hbm>>)
    %add3A_456 = arith.constant 64 : i32
    %add3A_457 = arith.addi %mul3A_2, %add3A_456 : i32
    %dma_wait3A_458 = arith.constant 0 : i32
    %dma_wait3A_459 = arith.constant 0 : i32
    %dma_wait3A_460 = tpu.memref_slice %arg5[%dma_wait3A_458, %add3A_457, %dma_wait3A_459] : memref<20x4096x1024xf32, #tpu.memory_space<hbm>> -> memref<1x64x1024xf32, #tpu.memory_space<hbm>>
    %dma_wait3A_461 = tpu.memref_squeeze %dma_wait3A_460 : memref<1x64x1024xf32, #tpu.memory_space<hbm>> -> memref<64x1024xf32, #tpu.memory_space<hbm>>
    %dma_wait3A_462 = arith.constant 0 : i32
    %dma_wait3A_463 = tpu.memref_slice %arg5[%dma_wait3A_458, %add3A_457, %dma_wait3A_462] : memref<20x4096x1024xf32, #tpu.memory_space<hbm>> -> memref<1x64x1024xf32, #tpu.memory_space<hbm>>
    %dma_wait3A_464 = tpu.memref_squeeze %dma_wait3A_463 : memref<1x64x1024xf32, #tpu.memory_space<hbm>> -> memref<64x1024xf32, #tpu.memory_space<hbm>>
    tpu.wait_dma2 semaphore(%arg9 : memref<!tpu.dma_semaphore, #tpu.memory_space<semaphore_mem>>) src(%arg8 : memref<64x1024xf32, #tpu.memory_space<vmem>>) dst(%dma_wait3A_464 : memref<64x1024xf32, #tpu.memory_space<hbm>>)
    %add3A_465 = arith.constant 0 : i32
    %add3A_466 = arith.addi %mul3A_2, %add3A_465 : i32
    %dma_wait3A_467 = arith.constant 1 : i32
    %dma_wait3A_468 = arith.constant 0 : i32
    %dma_wait3A_469 = tpu.memref_slice %arg5[%dma_wait3A_467, %add3A_466, %dma_wait3A_468] : memref<20x4096x1024xf32, #tpu.memory_space<hbm>> -> memref<1x64x1024xf32, #tpu.memory_space<hbm>>
    %dma_wait3A_470 = tpu.memref_squeeze %dma_wait3A_469 : memref<1x64x1024xf32, #tpu.memory_space<hbm>> -> memref<64x1024xf32, #tpu.memory_space<hbm>>
    %dma_wait3A_471 = arith.constant 0 : i32
    %dma_wait3A_472 = tpu.memref_slice %arg5[%dma_wait3A_467, %add3A_466, %dma_wait3A_471] : memref<20x4096x1024xf32, #tpu.memory_space<hbm>> -> memref<1x64x1024xf32, #tpu.memory_space<hbm>>
    %dma_wait3A_473 = tpu.memref_squeeze %dma_wait3A_472 : memref<1x64x1024xf32, #tpu.memory_space<hbm>> -> memref<64x1024xf32, #tpu.memory_space<hbm>>
    tpu.wait_dma2 semaphore(%arg9 : memref<!tpu.dma_semaphore, #tpu.memory_space<semaphore_mem>>) src(%arg8 : memref<64x1024xf32, #tpu.memory_space<vmem>>) dst(%dma_wait3A_473 : memref<64x1024xf32, #tpu.memory_space<hbm>>)
    %add3A_474 = arith.constant 64 : i32
    %add3A_475 = arith.addi %mul3A_2, %add3A_474 : i32
    %dma_wait3A_476 = arith.constant 1 : i32
    %dma_wait3A_477 = arith.constant 0 : i32
    %dma_wait3A_478 = tpu.memref_slice %arg5[%dma_wait3A_476, %add3A_475, %dma_wait3A_477] : memref<20x4096x1024xf32, #tpu.memory_space<hbm>> -> memref<1x64x1024xf32, #tpu.memory_space<hbm>>
    %dma_wait3A_479 = tpu.memref_squeeze %dma_wait3A_478 : memref<1x64x1024xf32, #tpu.memory_space<hbm>> -> memref<64x1024xf32, #tpu.memory_space<hbm>>
    %dma_wait3A_480 = arith.constant 0 : i32
    %dma_wait3A_481 = tpu.memref_slice %arg5[%dma_wait3A_476, %add3A_475, %dma_wait3A_480] : memref<20x4096x1024xf32, #tpu.memory_space<hbm>> -> memref<1x64x1024xf32, #tpu.memory_space<hbm>>
    %dma_wait3A_482 = tpu.memref_squeeze %dma_wait3A_481 : memref<1x64x1024xf32, #tpu.memory_space<hbm>> -> memref<64x1024xf32, #tpu.memory_space<hbm>>
    tpu.wait_dma2 semaphore(%arg9 : memref<!tpu.dma_semaphore, #tpu.memory_space<semaphore_mem>>) src(%arg8 : memref<64x1024xf32, #tpu.memory_space<vmem>>) dst(%dma_wait3A_482 : memref<64x1024xf32, #tpu.memory_space<hbm>>)
    %add3A_483 = arith.constant 0 : i32
    %add3A_484 = arith.addi %mul3A_2, %add3A_483 : i32
    %dma_wait3A_485 = arith.constant 2 : i32
    %dma_wait3A_486 = arith.constant 0 : i32
    %dma_wait3A_487 = tpu.memref_slice %arg5[%dma_wait3A_485, %add3A_484, %dma_wait3A_486] : memref<20x4096x1024xf32, #tpu.memory_space<hbm>> -> memref<1x64x1024xf32, #tpu.memory_space<hbm>>
    %dma_wait3A_488 = tpu.memref_squeeze %dma_wait3A_487 : memref<1x64x1024xf32, #tpu.memory_space<hbm>> -> memref<64x1024xf32, #tpu.memory_space<hbm>>
    %dma_wait3A_489 = arith.constant 0 : i32
    %dma_wait3A_490 = tpu.memref_slice %arg5[%dma_wait3A_485, %add3A_484, %dma_wait3A_489] : memref<20x4096x1024xf32, #tpu.memory_space<hbm>> -> memref<1x64x1024xf32, #tpu.memory_space<hbm>>
    %dma_wait3A_491 = tpu.memref_squeeze %dma_wait3A_490 : memref<1x64x1024xf32, #tpu.memory_space<hbm>> -> memref<64x1024xf32, #tpu.memory_space<hbm>>
    tpu.wait_dma2 semaphore(%arg9 : memref<!tpu.dma_semaphore, #tpu.memory_space<semaphore_mem>>) src(%arg8 : memref<64x1024xf32, #tpu.memory_space<vmem>>) dst(%dma_wait3A_491 : memref<64x1024xf32, #tpu.memory_space<hbm>>)
    %add3A_492 = arith.constant 64 : i32
    %add3A_493 = arith.addi %mul3A_2, %add3A_492 : i32
    %dma_wait3A_494 = arith.constant 2 : i32
    %dma_wait3A_495 = arith.constant 0 : i32
    %dma_wait3A_496 = tpu.memref_slice %arg5[%dma_wait3A_494, %add3A_493, %dma_wait3A_495] : memref<20x4096x1024xf32, #tpu.memory_space<hbm>> -> memref<1x64x1024xf32, #tpu.memory_space<hbm>>
    %dma_wait3A_497 = tpu.memref_squeeze %dma_wait3A_496 : memref<1x64x1024xf32, #tpu.memory_space<hbm>> -> memref<64x1024xf32, #tpu.memory_space<hbm>>
    %dma_wait3A_498 = arith.constant 0 : i32
    %dma_wait3A_499 = tpu.memref_slice %arg5[%dma_wait3A_494, %add3A_493, %dma_wait3A_498] : memref<20x4096x1024xf32, #tpu.memory_space<hbm>> -> memref<1x64x1024xf32, #tpu.memory_space<hbm>>
    %dma_wait3A_500 = tpu.memref_squeeze %dma_wait3A_499 : memref<1x64x1024xf32, #tpu.memory_space<hbm>> -> memref<64x1024xf32, #tpu.memory_space<hbm>>
    tpu.wait_dma2 semaphore(%arg9 : memref<!tpu.dma_semaphore, #tpu.memory_space<semaphore_mem>>) src(%arg8 : memref<64x1024xf32, #tpu.memory_space<vmem>>) dst(%dma_wait3A_500 : memref<64x1024xf32, #tpu.memory_space<hbm>>)
    %add3A_501 = arith.constant 0 : i32
    %add3A_502 = arith.addi %mul3A_2, %add3A_501 : i32
    %dma_wait3A_503 = arith.constant 3 : i32
    %dma_wait3A_504 = arith.constant 0 : i32
    %dma_wait3A_505 = tpu.memref_slice %arg5[%dma_wait3A_503, %add3A_502, %dma_wait3A_504] : memref<20x4096x1024xf32, #tpu.memory_space<hbm>> -> memref<1x64x1024xf32, #tpu.memory_space<hbm>>
    %dma_wait3A_506 = tpu.memref_squeeze %dma_wait3A_505 : memref<1x64x1024xf32, #tpu.memory_space<hbm>> -> memref<64x1024xf32, #tpu.memory_space<hbm>>
    %dma_wait3A_507 = arith.constant 0 : i32
    %dma_wait3A_508 = tpu.memref_slice %arg5[%dma_wait3A_503, %add3A_502, %dma_wait3A_507] : memref<20x4096x1024xf32, #tpu.memory_space<hbm>> -> memref<1x64x1024xf32, #tpu.memory_space<hbm>>
    %dma_wait3A_509 = tpu.memref_squeeze %dma_wait3A_508 : memref<1x64x1024xf32, #tpu.memory_space<hbm>> -> memref<64x1024xf32, #tpu.memory_space<hbm>>
    tpu.wait_dma2 semaphore(%arg9 : memref<!tpu.dma_semaphore, #tpu.memory_space<semaphore_mem>>) src(%arg8 : memref<64x1024xf32, #tpu.memory_space<vmem>>) dst(%dma_wait3A_509 : memref<64x1024xf32, #tpu.memory_space<hbm>>)
    %add3A_510 = arith.constant 64 : i32
    %add3A_511 = arith.addi %mul3A_2, %add3A_510 : i32
    %dma_wait3A_512 = arith.constant 3 : i32
    %dma_wait3A_513 = arith.constant 0 : i32
    %dma_wait3A_514 = tpu.memref_slice %arg5[%dma_wait3A_512, %add3A_511, %dma_wait3A_513] : memref<20x4096x1024xf32, #tpu.memory_space<hbm>> -> memref<1x64x1024xf32, #tpu.memory_space<hbm>>
    %dma_wait3A_515 = tpu.memref_squeeze %dma_wait3A_514 : memref<1x64x1024xf32, #tpu.memory_space<hbm>> -> memref<64x1024xf32, #tpu.memory_space<hbm>>
    %dma_wait3A_516 = arith.constant 0 : i32
    %dma_wait3A_517 = tpu.memref_slice %arg5[%dma_wait3A_512, %add3A_511, %dma_wait3A_516] : memref<20x4096x1024xf32, #tpu.memory_space<hbm>> -> memref<1x64x1024xf32, #tpu.memory_space<hbm>>
    %dma_wait3A_518 = tpu.memref_squeeze %dma_wait3A_517 : memref<1x64x1024xf32, #tpu.memory_space<hbm>> -> memref<64x1024xf32, #tpu.memory_space<hbm>>
    tpu.wait_dma2 semaphore(%arg9 : memref<!tpu.dma_semaphore, #tpu.memory_space<semaphore_mem>>) src(%arg8 : memref<64x1024xf32, #tpu.memory_space<vmem>>) dst(%dma_wait3A_518 : memref<64x1024xf32, #tpu.memory_space<hbm>>)
    %add3A_519 = arith.constant 0 : i32
    %add3A_520 = arith.addi %mul3A_2, %add3A_519 : i32
    %dma_wait3A_521 = arith.constant 4 : i32
    %dma_wait3A_522 = arith.constant 0 : i32
    %dma_wait3A_523 = tpu.memref_slice %arg5[%dma_wait3A_521, %add3A_520, %dma_wait3A_522] : memref<20x4096x1024xf32, #tpu.memory_space<hbm>> -> memref<1x64x1024xf32, #tpu.memory_space<hbm>>
    %dma_wait3A_524 = tpu.memref_squeeze %dma_wait3A_523 : memref<1x64x1024xf32, #tpu.memory_space<hbm>> -> memref<64x1024xf32, #tpu.memory_space<hbm>>
    %dma_wait3A_525 = arith.constant 0 : i32
    %dma_wait3A_526 = tpu.memref_slice %arg5[%dma_wait3A_521, %add3A_520, %dma_wait3A_525] : memref<20x4096x1024xf32, #tpu.memory_space<hbm>> -> memref<1x64x1024xf32, #tpu.memory_space<hbm>>
    %dma_wait3A_527 = tpu.memref_squeeze %dma_wait3A_526 : memref<1x64x1024xf32, #tpu.memory_space<hbm>> -> memref<64x1024xf32, #tpu.memory_space<hbm>>
    tpu.wait_dma2 semaphore(%arg9 : memref<!tpu.dma_semaphore, #tpu.memory_space<semaphore_mem>>) src(%arg8 : memref<64x1024xf32, #tpu.memory_space<vmem>>) dst(%dma_wait3A_527 : memref<64x1024xf32, #tpu.memory_space<hbm>>)
    %add3A_528 = arith.constant 64 : i32
    %add3A_529 = arith.addi %mul3A_2, %add3A_528 : i32
    %dma_wait3A_530 = arith.constant 4 : i32
    %dma_wait3A_531 = arith.constant 0 : i32
    %dma_wait3A_532 = tpu.memref_slice %arg5[%dma_wait3A_530, %add3A_529, %dma_wait3A_531] : memref<20x4096x1024xf32, #tpu.memory_space<hbm>> -> memref<1x64x1024xf32, #tpu.memory_space<hbm>>
    %dma_wait3A_533 = tpu.memref_squeeze %dma_wait3A_532 : memref<1x64x1024xf32, #tpu.memory_space<hbm>> -> memref<64x1024xf32, #tpu.memory_space<hbm>>
    %dma_wait3A_534 = arith.constant 0 : i32
    %dma_wait3A_535 = tpu.memref_slice %arg5[%dma_wait3A_530, %add3A_529, %dma_wait3A_534] : memref<20x4096x1024xf32, #tpu.memory_space<hbm>> -> memref<1x64x1024xf32, #tpu.memory_space<hbm>>
    %dma_wait3A_536 = tpu.memref_squeeze %dma_wait3A_535 : memref<1x64x1024xf32, #tpu.memory_space<hbm>> -> memref<64x1024xf32, #tpu.memory_space<hbm>>
    tpu.wait_dma2 semaphore(%arg9 : memref<!tpu.dma_semaphore, #tpu.memory_space<semaphore_mem>>) src(%arg8 : memref<64x1024xf32, #tpu.memory_space<vmem>>) dst(%dma_wait3A_536 : memref<64x1024xf32, #tpu.memory_space<hbm>>)
    %add3A_537 = arith.constant 0 : i32
    %add3A_538 = arith.addi %mul3A_2, %add3A_537 : i32
    %dma_wait3A_539 = arith.constant 5 : i32
    %dma_wait3A_540 = arith.constant 0 : i32
    %dma_wait3A_541 = tpu.memref_slice %arg5[%dma_wait3A_539, %add3A_538, %dma_wait3A_540] : memref<20x4096x1024xf32, #tpu.memory_space<hbm>> -> memref<1x64x1024xf32, #tpu.memory_space<hbm>>
    %dma_wait3A_542 = tpu.memref_squeeze %dma_wait3A_541 : memref<1x64x1024xf32, #tpu.memory_space<hbm>> -> memref<64x1024xf32, #tpu.memory_space<hbm>>
    %dma_wait3A_543 = arith.constant 0 : i32
    %dma_wait3A_544 = tpu.memref_slice %arg5[%dma_wait3A_539, %add3A_538, %dma_wait3A_543] : memref<20x4096x1024xf32, #tpu.memory_space<hbm>> -> memref<1x64x1024xf32, #tpu.memory_space<hbm>>
    %dma_wait3A_545 = tpu.memref_squeeze %dma_wait3A_544 : memref<1x64x1024xf32, #tpu.memory_space<hbm>> -> memref<64x1024xf32, #tpu.memory_space<hbm>>
    tpu.wait_dma2 semaphore(%arg9 : memref<!tpu.dma_semaphore, #tpu.memory_space<semaphore_mem>>) src(%arg8 : memref<64x1024xf32, #tpu.memory_space<vmem>>) dst(%dma_wait3A_545 : memref<64x1024xf32, #tpu.memory_space<hbm>>)
    %add3A_546 = arith.constant 64 : i32
    %add3A_547 = arith.addi %mul3A_2, %add3A_546 : i32
    %dma_wait3A_548 = arith.constant 5 : i32
    %dma_wait3A_549 = arith.constant 0 : i32
    %dma_wait3A_550 = tpu.memref_slice %arg5[%dma_wait3A_548, %add3A_547, %dma_wait3A_549] : memref<20x4096x1024xf32, #tpu.memory_space<hbm>> -> memref<1x64x1024xf32, #tpu.memory_space<hbm>>
    %dma_wait3A_551 = tpu.memref_squeeze %dma_wait3A_550 : memref<1x64x1024xf32, #tpu.memory_space<hbm>> -> memref<64x1024xf32, #tpu.memory_space<hbm>>
    %dma_wait3A_552 = arith.constant 0 : i32
    %dma_wait3A_553 = tpu.memref_slice %arg5[%dma_wait3A_548, %add3A_547, %dma_wait3A_552] : memref<20x4096x1024xf32, #tpu.memory_space<hbm>> -> memref<1x64x1024xf32, #tpu.memory_space<hbm>>
    %dma_wait3A_554 = tpu.memref_squeeze %dma_wait3A_553 : memref<1x64x1024xf32, #tpu.memory_space<hbm>> -> memref<64x1024xf32, #tpu.memory_space<hbm>>
    tpu.wait_dma2 semaphore(%arg9 : memref<!tpu.dma_semaphore, #tpu.memory_space<semaphore_mem>>) src(%arg8 : memref<64x1024xf32, #tpu.memory_space<vmem>>) dst(%dma_wait3A_554 : memref<64x1024xf32, #tpu.memory_space<hbm>>)
    %add3A_555 = arith.constant 0 : i32
    %add3A_556 = arith.addi %mul3A_2, %add3A_555 : i32
    %dma_wait3A_557 = arith.constant 6 : i32
    %dma_wait3A_558 = arith.constant 0 : i32
    %dma_wait3A_559 = tpu.memref_slice %arg5[%dma_wait3A_557, %add3A_556, %dma_wait3A_558] : memref<20x4096x1024xf32, #tpu.memory_space<hbm>> -> memref<1x64x1024xf32, #tpu.memory_space<hbm>>
    %dma_wait3A_560 = tpu.memref_squeeze %dma_wait3A_559 : memref<1x64x1024xf32, #tpu.memory_space<hbm>> -> memref<64x1024xf32, #tpu.memory_space<hbm>>
    %dma_wait3A_561 = arith.constant 0 : i32
    %dma_wait3A_562 = tpu.memref_slice %arg5[%dma_wait3A_557, %add3A_556, %dma_wait3A_561] : memref<20x4096x1024xf32, #tpu.memory_space<hbm>> -> memref<1x64x1024xf32, #tpu.memory_space<hbm>>
    %dma_wait3A_563 = tpu.memref_squeeze %dma_wait3A_562 : memref<1x64x1024xf32, #tpu.memory_space<hbm>> -> memref<64x1024xf32, #tpu.memory_space<hbm>>
    tpu.wait_dma2 semaphore(%arg9 : memref<!tpu.dma_semaphore, #tpu.memory_space<semaphore_mem>>) src(%arg8 : memref<64x1024xf32, #tpu.memory_space<vmem>>) dst(%dma_wait3A_563 : memref<64x1024xf32, #tpu.memory_space<hbm>>)
    %add3A_564 = arith.constant 64 : i32
    %add3A_565 = arith.addi %mul3A_2, %add3A_564 : i32
    %dma_wait3A_566 = arith.constant 6 : i32
    %dma_wait3A_567 = arith.constant 0 : i32
    %dma_wait3A_568 = tpu.memref_slice %arg5[%dma_wait3A_566, %add3A_565, %dma_wait3A_567] : memref<20x4096x1024xf32, #tpu.memory_space<hbm>> -> memref<1x64x1024xf32, #tpu.memory_space<hbm>>
    %dma_wait3A_569 = tpu.memref_squeeze %dma_wait3A_568 : memref<1x64x1024xf32, #tpu.memory_space<hbm>> -> memref<64x1024xf32, #tpu.memory_space<hbm>>
    %dma_wait3A_570 = arith.constant 0 : i32
    %dma_wait3A_571 = tpu.memref_slice %arg5[%dma_wait3A_566, %add3A_565, %dma_wait3A_570] : memref<20x4096x1024xf32, #tpu.memory_space<hbm>> -> memref<1x64x1024xf32, #tpu.memory_space<hbm>>
    %dma_wait3A_572 = tpu.memref_squeeze %dma_wait3A_571 : memref<1x64x1024xf32, #tpu.memory_space<hbm>> -> memref<64x1024xf32, #tpu.memory_space<hbm>>
    tpu.wait_dma2 semaphore(%arg9 : memref<!tpu.dma_semaphore, #tpu.memory_space<semaphore_mem>>) src(%arg8 : memref<64x1024xf32, #tpu.memory_space<vmem>>) dst(%dma_wait3A_572 : memref<64x1024xf32, #tpu.memory_space<hbm>>)
    %add3A_573 = arith.constant 0 : i32
    %add3A_574 = arith.addi %mul3A_2, %add3A_573 : i32
    %dma_wait3A_575 = arith.constant 7 : i32
    %dma_wait3A_576 = arith.constant 0 : i32
    %dma_wait3A_577 = tpu.memref_slice %arg5[%dma_wait3A_575, %add3A_574, %dma_wait3A_576] : memref<20x4096x1024xf32, #tpu.memory_space<hbm>> -> memref<1x64x1024xf32, #tpu.memory_space<hbm>>
    %dma_wait3A_578 = tpu.memref_squeeze %dma_wait3A_577 : memref<1x64x1024xf32, #tpu.memory_space<hbm>> -> memref<64x1024xf32, #tpu.memory_space<hbm>>
    %dma_wait3A_579 = arith.constant 0 : i32
    %dma_wait3A_580 = tpu.memref_slice %arg5[%dma_wait3A_575, %add3A_574, %dma_wait3A_579] : memref<20x4096x1024xf32, #tpu.memory_space<hbm>> -> memref<1x64x1024xf32, #tpu.memory_space<hbm>>
    %dma_wait3A_581 = tpu.memref_squeeze %dma_wait3A_580 : memref<1x64x1024xf32, #tpu.memory_space<hbm>> -> memref<64x1024xf32, #tpu.memory_space<hbm>>
    tpu.wait_dma2 semaphore(%arg9 : memref<!tpu.dma_semaphore, #tpu.memory_space<semaphore_mem>>) src(%arg8 : memref<64x1024xf32, #tpu.memory_space<vmem>>) dst(%dma_wait3A_581 : memref<64x1024xf32, #tpu.memory_space<hbm>>)
    %add3A_582 = arith.constant 64 : i32
    %add3A_583 = arith.addi %mul3A_2, %add3A_582 : i32
    %dma_wait3A_584 = arith.constant 7 : i32
    %dma_wait3A_585 = arith.constant 0 : i32
    %dma_wait3A_586 = tpu.memref_slice %arg5[%dma_wait3A_584, %add3A_583, %dma_wait3A_585] : memref<20x4096x1024xf32, #tpu.memory_space<hbm>> -> memref<1x64x1024xf32, #tpu.memory_space<hbm>>
    %dma_wait3A_587 = tpu.memref_squeeze %dma_wait3A_586 : memref<1x64x1024xf32, #tpu.memory_space<hbm>> -> memref<64x1024xf32, #tpu.memory_space<hbm>>
    %dma_wait3A_588 = arith.constant 0 : i32
    %dma_wait3A_589 = tpu.memref_slice %arg5[%dma_wait3A_584, %add3A_583, %dma_wait3A_588] : memref<20x4096x1024xf32, #tpu.memory_space<hbm>> -> memref<1x64x1024xf32, #tpu.memory_space<hbm>>
    %dma_wait3A_590 = tpu.memref_squeeze %dma_wait3A_589 : memref<1x64x1024xf32, #tpu.memory_space<hbm>> -> memref<64x1024xf32, #tpu.memory_space<hbm>>
    tpu.wait_dma2 semaphore(%arg9 : memref<!tpu.dma_semaphore, #tpu.memory_space<semaphore_mem>>) src(%arg8 : memref<64x1024xf32, #tpu.memory_space<vmem>>) dst(%dma_wait3A_590 : memref<64x1024xf32, #tpu.memory_space<hbm>>)
    %add3A_591 = arith.constant 0 : i32
    %add3A_592 = arith.addi %mul3A_2, %add3A_591 : i32
    %dma_wait3A_593 = arith.constant 8 : i32
    %dma_wait3A_594 = arith.constant 0 : i32
    %dma_wait3A_595 = tpu.memref_slice %arg5[%dma_wait3A_593, %add3A_592, %dma_wait3A_594] : memref<20x4096x1024xf32, #tpu.memory_space<hbm>> -> memref<1x64x1024xf32, #tpu.memory_space<hbm>>
    %dma_wait3A_596 = tpu.memref_squeeze %dma_wait3A_595 : memref<1x64x1024xf32, #tpu.memory_space<hbm>> -> memref<64x1024xf32, #tpu.memory_space<hbm>>
    %dma_wait3A_597 = arith.constant 0 : i32
    %dma_wait3A_598 = tpu.memref_slice %arg5[%dma_wait3A_593, %add3A_592, %dma_wait3A_597] : memref<20x4096x1024xf32, #tpu.memory_space<hbm>> -> memref<1x64x1024xf32, #tpu.memory_space<hbm>>
    %dma_wait3A_599 = tpu.memref_squeeze %dma_wait3A_598 : memref<1x64x1024xf32, #tpu.memory_space<hbm>> -> memref<64x1024xf32, #tpu.memory_space<hbm>>
    tpu.wait_dma2 semaphore(%arg9 : memref<!tpu.dma_semaphore, #tpu.memory_space<semaphore_mem>>) src(%arg8 : memref<64x1024xf32, #tpu.memory_space<vmem>>) dst(%dma_wait3A_599 : memref<64x1024xf32, #tpu.memory_space<hbm>>)
    %add3A_600 = arith.constant 64 : i32
    %add3A_601 = arith.addi %mul3A_2, %add3A_600 : i32
    %dma_wait3A_602 = arith.constant 8 : i32
    %dma_wait3A_603 = arith.constant 0 : i32
    %dma_wait3A_604 = tpu.memref_slice %arg5[%dma_wait3A_602, %add3A_601, %dma_wait3A_603] : memref<20x4096x1024xf32, #tpu.memory_space<hbm>> -> memref<1x64x1024xf32, #tpu.memory_space<hbm>>
    %dma_wait3A_605 = tpu.memref_squeeze %dma_wait3A_604 : memref<1x64x1024xf32, #tpu.memory_space<hbm>> -> memref<64x1024xf32, #tpu.memory_space<hbm>>
    %dma_wait3A_606 = arith.constant 0 : i32
    %dma_wait3A_607 = tpu.memref_slice %arg5[%dma_wait3A_602, %add3A_601, %dma_wait3A_606] : memref<20x4096x1024xf32, #tpu.memory_space<hbm>> -> memref<1x64x1024xf32, #tpu.memory_space<hbm>>
    %dma_wait3A_608 = tpu.memref_squeeze %dma_wait3A_607 : memref<1x64x1024xf32, #tpu.memory_space<hbm>> -> memref<64x1024xf32, #tpu.memory_space<hbm>>
    tpu.wait_dma2 semaphore(%arg9 : memref<!tpu.dma_semaphore, #tpu.memory_space<semaphore_mem>>) src(%arg8 : memref<64x1024xf32, #tpu.memory_space<vmem>>) dst(%dma_wait3A_608 : memref<64x1024xf32, #tpu.memory_space<hbm>>)
    %add3A_609 = arith.constant 0 : i32
    %add3A_610 = arith.addi %mul3A_2, %add3A_609 : i32
    %dma_wait3A_611 = arith.constant 9 : i32
    %dma_wait3A_612 = arith.constant 0 : i32
    %dma_wait3A_613 = tpu.memref_slice %arg5[%dma_wait3A_611, %add3A_610, %dma_wait3A_612] : memref<20x4096x1024xf32, #tpu.memory_space<hbm>> -> memref<1x64x1024xf32, #tpu.memory_space<hbm>>
    %dma_wait3A_614 = tpu.memref_squeeze %dma_wait3A_613 : memref<1x64x1024xf32, #tpu.memory_space<hbm>> -> memref<64x1024xf32, #tpu.memory_space<hbm>>
    %dma_wait3A_615 = arith.constant 0 : i32
    %dma_wait3A_616 = tpu.memref_slice %arg5[%dma_wait3A_611, %add3A_610, %dma_wait3A_615] : memref<20x4096x1024xf32, #tpu.memory_space<hbm>> -> memref<1x64x1024xf32, #tpu.memory_space<hbm>>
    %dma_wait3A_617 = tpu.memref_squeeze %dma_wait3A_616 : memref<1x64x1024xf32, #tpu.memory_space<hbm>> -> memref<64x1024xf32, #tpu.memory_space<hbm>>
    tpu.wait_dma2 semaphore(%arg9 : memref<!tpu.dma_semaphore, #tpu.memory_space<semaphore_mem>>) src(%arg8 : memref<64x1024xf32, #tpu.memory_space<vmem>>) dst(%dma_wait3A_617 : memref<64x1024xf32, #tpu.memory_space<hbm>>)
    %add3A_618 = arith.constant 64 : i32
    %add3A_619 = arith.addi %mul3A_2, %add3A_618 : i32
    %dma_wait3A_620 = arith.constant 9 : i32
    %dma_wait3A_621 = arith.constant 0 : i32
    %dma_wait3A_622 = tpu.memref_slice %arg5[%dma_wait3A_620, %add3A_619, %dma_wait3A_621] : memref<20x4096x1024xf32, #tpu.memory_space<hbm>> -> memref<1x64x1024xf32, #tpu.memory_space<hbm>>
    %dma_wait3A_623 = tpu.memref_squeeze %dma_wait3A_622 : memref<1x64x1024xf32, #tpu.memory_space<hbm>> -> memref<64x1024xf32, #tpu.memory_space<hbm>>
    %dma_wait3A_624 = arith.constant 0 : i32
    %dma_wait3A_625 = tpu.memref_slice %arg5[%dma_wait3A_620, %add3A_619, %dma_wait3A_624] : memref<20x4096x1024xf32, #tpu.memory_space<hbm>> -> memref<1x64x1024xf32, #tpu.memory_space<hbm>>
    %dma_wait3A_626 = tpu.memref_squeeze %dma_wait3A_625 : memref<1x64x1024xf32, #tpu.memory_space<hbm>> -> memref<64x1024xf32, #tpu.memory_space<hbm>>
    tpu.wait_dma2 semaphore(%arg9 : memref<!tpu.dma_semaphore, #tpu.memory_space<semaphore_mem>>) src(%arg8 : memref<64x1024xf32, #tpu.memory_space<vmem>>) dst(%dma_wait3A_626 : memref<64x1024xf32, #tpu.memory_space<hbm>>)
    %add3A_627 = arith.constant 0 : i32
    %add3A_628 = arith.addi %mul3A_2, %add3A_627 : i32
    %dma_wait3A_629 = arith.constant 10 : i32
    %dma_wait3A_630 = arith.constant 0 : i32
    %dma_wait3A_631 = tpu.memref_slice %arg5[%dma_wait3A_629, %add3A_628, %dma_wait3A_630] : memref<20x4096x1024xf32, #tpu.memory_space<hbm>> -> memref<1x64x1024xf32, #tpu.memory_space<hbm>>
    %dma_wait3A_632 = tpu.memref_squeeze %dma_wait3A_631 : memref<1x64x1024xf32, #tpu.memory_space<hbm>> -> memref<64x1024xf32, #tpu.memory_space<hbm>>
    %dma_wait3A_633 = arith.constant 0 : i32
    %dma_wait3A_634 = tpu.memref_slice %arg5[%dma_wait3A_629, %add3A_628, %dma_wait3A_633] : memref<20x4096x1024xf32, #tpu.memory_space<hbm>> -> memref<1x64x1024xf32, #tpu.memory_space<hbm>>
    %dma_wait3A_635 = tpu.memref_squeeze %dma_wait3A_634 : memref<1x64x1024xf32, #tpu.memory_space<hbm>> -> memref<64x1024xf32, #tpu.memory_space<hbm>>
    tpu.wait_dma2 semaphore(%arg9 : memref<!tpu.dma_semaphore, #tpu.memory_space<semaphore_mem>>) src(%arg8 : memref<64x1024xf32, #tpu.memory_space<vmem>>) dst(%dma_wait3A_635 : memref<64x1024xf32, #tpu.memory_space<hbm>>)
    %add3A_636 = arith.constant 64 : i32
    %add3A_637 = arith.addi %mul3A_2, %add3A_636 : i32
    %dma_wait3A_638 = arith.constant 10 : i32
    %dma_wait3A_639 = arith.constant 0 : i32
    %dma_wait3A_640 = tpu.memref_slice %arg5[%dma_wait3A_638, %add3A_637, %dma_wait3A_639] : memref<20x4096x1024xf32, #tpu.memory_space<hbm>> -> memref<1x64x1024xf32, #tpu.memory_space<hbm>>
    %dma_wait3A_641 = tpu.memref_squeeze %dma_wait3A_640 : memref<1x64x1024xf32, #tpu.memory_space<hbm>> -> memref<64x1024xf32, #tpu.memory_space<hbm>>
    %dma_wait3A_642 = arith.constant 0 : i32
    %dma_wait3A_643 = tpu.memref_slice %arg5[%dma_wait3A_638, %add3A_637, %dma_wait3A_642] : memref<20x4096x1024xf32, #tpu.memory_space<hbm>> -> memref<1x64x1024xf32, #tpu.memory_space<hbm>>
    %dma_wait3A_644 = tpu.memref_squeeze %dma_wait3A_643 : memref<1x64x1024xf32, #tpu.memory_space<hbm>> -> memref<64x1024xf32, #tpu.memory_space<hbm>>
    tpu.wait_dma2 semaphore(%arg9 : memref<!tpu.dma_semaphore, #tpu.memory_space<semaphore_mem>>) src(%arg8 : memref<64x1024xf32, #tpu.memory_space<vmem>>) dst(%dma_wait3A_644 : memref<64x1024xf32, #tpu.memory_space<hbm>>)
    %add3A_645 = arith.constant 0 : i32
    %add3A_646 = arith.addi %mul3A_2, %add3A_645 : i32
    %dma_wait3A_647 = arith.constant 11 : i32
    %dma_wait3A_648 = arith.constant 0 : i32
    %dma_wait3A_649 = tpu.memref_slice %arg5[%dma_wait3A_647, %add3A_646, %dma_wait3A_648] : memref<20x4096x1024xf32, #tpu.memory_space<hbm>> -> memref<1x64x1024xf32, #tpu.memory_space<hbm>>
    %dma_wait3A_650 = tpu.memref_squeeze %dma_wait3A_649 : memref<1x64x1024xf32, #tpu.memory_space<hbm>> -> memref<64x1024xf32, #tpu.memory_space<hbm>>
    %dma_wait3A_651 = arith.constant 0 : i32
    %dma_wait3A_652 = tpu.memref_slice %arg5[%dma_wait3A_647, %add3A_646, %dma_wait3A_651] : memref<20x4096x1024xf32, #tpu.memory_space<hbm>> -> memref<1x64x1024xf32, #tpu.memory_space<hbm>>
    %dma_wait3A_653 = tpu.memref_squeeze %dma_wait3A_652 : memref<1x64x1024xf32, #tpu.memory_space<hbm>> -> memref<64x1024xf32, #tpu.memory_space<hbm>>
    tpu.wait_dma2 semaphore(%arg9 : memref<!tpu.dma_semaphore, #tpu.memory_space<semaphore_mem>>) src(%arg8 : memref<64x1024xf32, #tpu.memory_space<vmem>>) dst(%dma_wait3A_653 : memref<64x1024xf32, #tpu.memory_space<hbm>>)
    %add3A_654 = arith.constant 64 : i32
    %add3A_655 = arith.addi %mul3A_2, %add3A_654 : i32
    %dma_wait3A_656 = arith.constant 11 : i32
    %dma_wait3A_657 = arith.constant 0 : i32
    %dma_wait3A_658 = tpu.memref_slice %arg5[%dma_wait3A_656, %add3A_655, %dma_wait3A_657] : memref<20x4096x1024xf32, #tpu.memory_space<hbm>> -> memref<1x64x1024xf32, #tpu.memory_space<hbm>>
    %dma_wait3A_659 = tpu.memref_squeeze %dma_wait3A_658 : memref<1x64x1024xf32, #tpu.memory_space<hbm>> -> memref<64x1024xf32, #tpu.memory_space<hbm>>
    %dma_wait3A_660 = arith.constant 0 : i32
    %dma_wait3A_661 = tpu.memref_slice %arg5[%dma_wait3A_656, %add3A_655, %dma_wait3A_660] : memref<20x4096x1024xf32, #tpu.memory_space<hbm>> -> memref<1x64x1024xf32, #tpu.memory_space<hbm>>
    %dma_wait3A_662 = tpu.memref_squeeze %dma_wait3A_661 : memref<1x64x1024xf32, #tpu.memory_space<hbm>> -> memref<64x1024xf32, #tpu.memory_space<hbm>>
    tpu.wait_dma2 semaphore(%arg9 : memref<!tpu.dma_semaphore, #tpu.memory_space<semaphore_mem>>) src(%arg8 : memref<64x1024xf32, #tpu.memory_space<vmem>>) dst(%dma_wait3A_662 : memref<64x1024xf32, #tpu.memory_space<hbm>>)
    %add3A_663 = arith.constant 0 : i32
    %add3A_664 = arith.addi %mul3A_2, %add3A_663 : i32
    %dma_wait3A_665 = arith.constant 12 : i32
    %dma_wait3A_666 = arith.constant 0 : i32
    %dma_wait3A_667 = tpu.memref_slice %arg5[%dma_wait3A_665, %add3A_664, %dma_wait3A_666] : memref<20x4096x1024xf32, #tpu.memory_space<hbm>> -> memref<1x64x1024xf32, #tpu.memory_space<hbm>>
    %dma_wait3A_668 = tpu.memref_squeeze %dma_wait3A_667 : memref<1x64x1024xf32, #tpu.memory_space<hbm>> -> memref<64x1024xf32, #tpu.memory_space<hbm>>
    %dma_wait3A_669 = arith.constant 0 : i32
    %dma_wait3A_670 = tpu.memref_slice %arg5[%dma_wait3A_665, %add3A_664, %dma_wait3A_669] : memref<20x4096x1024xf32, #tpu.memory_space<hbm>> -> memref<1x64x1024xf32, #tpu.memory_space<hbm>>
    %dma_wait3A_671 = tpu.memref_squeeze %dma_wait3A_670 : memref<1x64x1024xf32, #tpu.memory_space<hbm>> -> memref<64x1024xf32, #tpu.memory_space<hbm>>
    tpu.wait_dma2 semaphore(%arg9 : memref<!tpu.dma_semaphore, #tpu.memory_space<semaphore_mem>>) src(%arg8 : memref<64x1024xf32, #tpu.memory_space<vmem>>) dst(%dma_wait3A_671 : memref<64x1024xf32, #tpu.memory_space<hbm>>)
    %add3A_672 = arith.constant 64 : i32
    %add3A_673 = arith.addi %mul3A_2, %add3A_672 : i32
    %dma_wait3A_674 = arith.constant 12 : i32
    %dma_wait3A_675 = arith.constant 0 : i32
    %dma_wait3A_676 = tpu.memref_slice %arg5[%dma_wait3A_674, %add3A_673, %dma_wait3A_675] : memref<20x4096x1024xf32, #tpu.memory_space<hbm>> -> memref<1x64x1024xf32, #tpu.memory_space<hbm>>
    %dma_wait3A_677 = tpu.memref_squeeze %dma_wait3A_676 : memref<1x64x1024xf32, #tpu.memory_space<hbm>> -> memref<64x1024xf32, #tpu.memory_space<hbm>>
    %dma_wait3A_678 = arith.constant 0 : i32
    %dma_wait3A_679 = tpu.memref_slice %arg5[%dma_wait3A_674, %add3A_673, %dma_wait3A_678] : memref<20x4096x1024xf32, #tpu.memory_space<hbm>> -> memref<1x64x1024xf32, #tpu.memory_space<hbm>>
    %dma_wait3A_680 = tpu.memref_squeeze %dma_wait3A_679 : memref<1x64x1024xf32, #tpu.memory_space<hbm>> -> memref<64x1024xf32, #tpu.memory_space<hbm>>
    tpu.wait_dma2 semaphore(%arg9 : memref<!tpu.dma_semaphore, #tpu.memory_space<semaphore_mem>>) src(%arg8 : memref<64x1024xf32, #tpu.memory_space<vmem>>) dst(%dma_wait3A_680 : memref<64x1024xf32, #tpu.memory_space<hbm>>)
    %add3A_681 = arith.constant 0 : i32
    %add3A_682 = arith.addi %mul3A_2, %add3A_681 : i32
    %dma_wait3A_683 = arith.constant 13 : i32
    %dma_wait3A_684 = arith.constant 0 : i32
    %dma_wait3A_685 = tpu.memref_slice %arg5[%dma_wait3A_683, %add3A_682, %dma_wait3A_684] : memref<20x4096x1024xf32, #tpu.memory_space<hbm>> -> memref<1x64x1024xf32, #tpu.memory_space<hbm>>
    %dma_wait3A_686 = tpu.memref_squeeze %dma_wait3A_685 : memref<1x64x1024xf32, #tpu.memory_space<hbm>> -> memref<64x1024xf32, #tpu.memory_space<hbm>>
    %dma_wait3A_687 = arith.constant 0 : i32
    %dma_wait3A_688 = tpu.memref_slice %arg5[%dma_wait3A_683, %add3A_682, %dma_wait3A_687] : memref<20x4096x1024xf32, #tpu.memory_space<hbm>> -> memref<1x64x1024xf32, #tpu.memory_space<hbm>>
    %dma_wait3A_689 = tpu.memref_squeeze %dma_wait3A_688 : memref<1x64x1024xf32, #tpu.memory_space<hbm>> -> memref<64x1024xf32, #tpu.memory_space<hbm>>
    tpu.wait_dma2 semaphore(%arg9 : memref<!tpu.dma_semaphore, #tpu.memory_space<semaphore_mem>>) src(%arg8 : memref<64x1024xf32, #tpu.memory_space<vmem>>) dst(%dma_wait3A_689 : memref<64x1024xf32, #tpu.memory_space<hbm>>)
    %add3A_690 = arith.constant 64 : i32
    %add3A_691 = arith.addi %mul3A_2, %add3A_690 : i32
    %dma_wait3A_692 = arith.constant 13 : i32
    %dma_wait3A_693 = arith.constant 0 : i32
    %dma_wait3A_694 = tpu.memref_slice %arg5[%dma_wait3A_692, %add3A_691, %dma_wait3A_693] : memref<20x4096x1024xf32, #tpu.memory_space<hbm>> -> memref<1x64x1024xf32, #tpu.memory_space<hbm>>
    %dma_wait3A_695 = tpu.memref_squeeze %dma_wait3A_694 : memref<1x64x1024xf32, #tpu.memory_space<hbm>> -> memref<64x1024xf32, #tpu.memory_space<hbm>>
    %dma_wait3A_696 = arith.constant 0 : i32
    %dma_wait3A_697 = tpu.memref_slice %arg5[%dma_wait3A_692, %add3A_691, %dma_wait3A_696] : memref<20x4096x1024xf32, #tpu.memory_space<hbm>> -> memref<1x64x1024xf32, #tpu.memory_space<hbm>>
    %dma_wait3A_698 = tpu.memref_squeeze %dma_wait3A_697 : memref<1x64x1024xf32, #tpu.memory_space<hbm>> -> memref<64x1024xf32, #tpu.memory_space<hbm>>
    tpu.wait_dma2 semaphore(%arg9 : memref<!tpu.dma_semaphore, #tpu.memory_space<semaphore_mem>>) src(%arg8 : memref<64x1024xf32, #tpu.memory_space<vmem>>) dst(%dma_wait3A_698 : memref<64x1024xf32, #tpu.memory_space<hbm>>)
    %add3A_699 = arith.constant 0 : i32
    %add3A_700 = arith.addi %mul3A_2, %add3A_699 : i32
    %dma_wait3A_701 = arith.constant 14 : i32
    %dma_wait3A_702 = arith.constant 0 : i32
    %dma_wait3A_703 = tpu.memref_slice %arg5[%dma_wait3A_701, %add3A_700, %dma_wait3A_702] : memref<20x4096x1024xf32, #tpu.memory_space<hbm>> -> memref<1x64x1024xf32, #tpu.memory_space<hbm>>
    %dma_wait3A_704 = tpu.memref_squeeze %dma_wait3A_703 : memref<1x64x1024xf32, #tpu.memory_space<hbm>> -> memref<64x1024xf32, #tpu.memory_space<hbm>>
    %dma_wait3A_705 = arith.constant 0 : i32
    %dma_wait3A_706 = tpu.memref_slice %arg5[%dma_wait3A_701, %add3A_700, %dma_wait3A_705] : memref<20x4096x1024xf32, #tpu.memory_space<hbm>> -> memref<1x64x1024xf32, #tpu.memory_space<hbm>>
    %dma_wait3A_707 = tpu.memref_squeeze %dma_wait3A_706 : memref<1x64x1024xf32, #tpu.memory_space<hbm>> -> memref<64x1024xf32, #tpu.memory_space<hbm>>
    tpu.wait_dma2 semaphore(%arg9 : memref<!tpu.dma_semaphore, #tpu.memory_space<semaphore_mem>>) src(%arg8 : memref<64x1024xf32, #tpu.memory_space<vmem>>) dst(%dma_wait3A_707 : memref<64x1024xf32, #tpu.memory_space<hbm>>)
    %add3A_708 = arith.constant 64 : i32
    %add3A_709 = arith.addi %mul3A_2, %add3A_708 : i32
    %dma_wait3A_710 = arith.constant 14 : i32
    %dma_wait3A_711 = arith.constant 0 : i32
    %dma_wait3A_712 = tpu.memref_slice %arg5[%dma_wait3A_710, %add3A_709, %dma_wait3A_711] : memref<20x4096x1024xf32, #tpu.memory_space<hbm>> -> memref<1x64x1024xf32, #tpu.memory_space<hbm>>
    %dma_wait3A_713 = tpu.memref_squeeze %dma_wait3A_712 : memref<1x64x1024xf32, #tpu.memory_space<hbm>> -> memref<64x1024xf32, #tpu.memory_space<hbm>>
    %dma_wait3A_714 = arith.constant 0 : i32
    %dma_wait3A_715 = tpu.memref_slice %arg5[%dma_wait3A_710, %add3A_709, %dma_wait3A_714] : memref<20x4096x1024xf32, #tpu.memory_space<hbm>> -> memref<1x64x1024xf32, #tpu.memory_space<hbm>>
    %dma_wait3A_716 = tpu.memref_squeeze %dma_wait3A_715 : memref<1x64x1024xf32, #tpu.memory_space<hbm>> -> memref<64x1024xf32, #tpu.memory_space<hbm>>
    tpu.wait_dma2 semaphore(%arg9 : memref<!tpu.dma_semaphore, #tpu.memory_space<semaphore_mem>>) src(%arg8 : memref<64x1024xf32, #tpu.memory_space<vmem>>) dst(%dma_wait3A_716 : memref<64x1024xf32, #tpu.memory_space<hbm>>)
    %add3A_717 = arith.constant 0 : i32
    %add3A_718 = arith.addi %mul3A_2, %add3A_717 : i32
    %dma_wait3A_719 = arith.constant 15 : i32
    %dma_wait3A_720 = arith.constant 0 : i32
    %dma_wait3A_721 = tpu.memref_slice %arg5[%dma_wait3A_719, %add3A_718, %dma_wait3A_720] : memref<20x4096x1024xf32, #tpu.memory_space<hbm>> -> memref<1x64x1024xf32, #tpu.memory_space<hbm>>
    %dma_wait3A_722 = tpu.memref_squeeze %dma_wait3A_721 : memref<1x64x1024xf32, #tpu.memory_space<hbm>> -> memref<64x1024xf32, #tpu.memory_space<hbm>>
    %dma_wait3A_723 = arith.constant 0 : i32
    %dma_wait3A_724 = tpu.memref_slice %arg5[%dma_wait3A_719, %add3A_718, %dma_wait3A_723] : memref<20x4096x1024xf32, #tpu.memory_space<hbm>> -> memref<1x64x1024xf32, #tpu.memory_space<hbm>>
    %dma_wait3A_725 = tpu.memref_squeeze %dma_wait3A_724 : memref<1x64x1024xf32, #tpu.memory_space<hbm>> -> memref<64x1024xf32, #tpu.memory_space<hbm>>
    tpu.wait_dma2 semaphore(%arg9 : memref<!tpu.dma_semaphore, #tpu.memory_space<semaphore_mem>>) src(%arg8 : memref<64x1024xf32, #tpu.memory_space<vmem>>) dst(%dma_wait3A_725 : memref<64x1024xf32, #tpu.memory_space<hbm>>)
    %add3A_726 = arith.constant 64 : i32
    %add3A_727 = arith.addi %mul3A_2, %add3A_726 : i32
    %dma_wait3A_728 = arith.constant 15 : i32
    %dma_wait3A_729 = arith.constant 0 : i32
    %dma_wait3A_730 = tpu.memref_slice %arg5[%dma_wait3A_728, %add3A_727, %dma_wait3A_729] : memref<20x4096x1024xf32, #tpu.memory_space<hbm>> -> memref<1x64x1024xf32, #tpu.memory_space<hbm>>
    %dma_wait3A_731 = tpu.memref_squeeze %dma_wait3A_730 : memref<1x64x1024xf32, #tpu.memory_space<hbm>> -> memref<64x1024xf32, #tpu.memory_space<hbm>>
    %dma_wait3A_732 = arith.constant 0 : i32
    %dma_wait3A_733 = tpu.memref_slice %arg5[%dma_wait3A_728, %add3A_727, %dma_wait3A_732] : memref<20x4096x1024xf32, #tpu.memory_space<hbm>> -> memref<1x64x1024xf32, #tpu.memory_space<hbm>>
    %dma_wait3A_734 = tpu.memref_squeeze %dma_wait3A_733 : memref<1x64x1024xf32, #tpu.memory_space<hbm>> -> memref<64x1024xf32, #tpu.memory_space<hbm>>
    tpu.wait_dma2 semaphore(%arg9 : memref<!tpu.dma_semaphore, #tpu.memory_space<semaphore_mem>>) src(%arg8 : memref<64x1024xf32, #tpu.memory_space<vmem>>) dst(%dma_wait3A_734 : memref<64x1024xf32, #tpu.memory_space<hbm>>)
    %add3A_735 = arith.constant 0 : i32
    %add3A_736 = arith.addi %mul3A_2, %add3A_735 : i32
    %dma_wait3A_737 = arith.constant 16 : i32
    %dma_wait3A_738 = arith.constant 0 : i32
    %dma_wait3A_739 = tpu.memref_slice %arg5[%dma_wait3A_737, %add3A_736, %dma_wait3A_738] : memref<20x4096x1024xf32, #tpu.memory_space<hbm>> -> memref<1x64x1024xf32, #tpu.memory_space<hbm>>
    %dma_wait3A_740 = tpu.memref_squeeze %dma_wait3A_739 : memref<1x64x1024xf32, #tpu.memory_space<hbm>> -> memref<64x1024xf32, #tpu.memory_space<hbm>>
    %dma_wait3A_741 = arith.constant 0 : i32
    %dma_wait3A_742 = tpu.memref_slice %arg5[%dma_wait3A_737, %add3A_736, %dma_wait3A_741] : memref<20x4096x1024xf32, #tpu.memory_space<hbm>> -> memref<1x64x1024xf32, #tpu.memory_space<hbm>>
    %dma_wait3A_743 = tpu.memref_squeeze %dma_wait3A_742 : memref<1x64x1024xf32, #tpu.memory_space<hbm>> -> memref<64x1024xf32, #tpu.memory_space<hbm>>
    tpu.wait_dma2 semaphore(%arg9 : memref<!tpu.dma_semaphore, #tpu.memory_space<semaphore_mem>>) src(%arg8 : memref<64x1024xf32, #tpu.memory_space<vmem>>) dst(%dma_wait3A_743 : memref<64x1024xf32, #tpu.memory_space<hbm>>)
    %add3A_744 = arith.constant 64 : i32
    %add3A_745 = arith.addi %mul3A_2, %add3A_744 : i32
    %dma_wait3A_746 = arith.constant 16 : i32
    %dma_wait3A_747 = arith.constant 0 : i32
    %dma_wait3A_748 = tpu.memref_slice %arg5[%dma_wait3A_746, %add3A_745, %dma_wait3A_747] : memref<20x4096x1024xf32, #tpu.memory_space<hbm>> -> memref<1x64x1024xf32, #tpu.memory_space<hbm>>
    %dma_wait3A_749 = tpu.memref_squeeze %dma_wait3A_748 : memref<1x64x1024xf32, #tpu.memory_space<hbm>> -> memref<64x1024xf32, #tpu.memory_space<hbm>>
    %dma_wait3A_750 = arith.constant 0 : i32
    %dma_wait3A_751 = tpu.memref_slice %arg5[%dma_wait3A_746, %add3A_745, %dma_wait3A_750] : memref<20x4096x1024xf32, #tpu.memory_space<hbm>> -> memref<1x64x1024xf32, #tpu.memory_space<hbm>>
    %dma_wait3A_752 = tpu.memref_squeeze %dma_wait3A_751 : memref<1x64x1024xf32, #tpu.memory_space<hbm>> -> memref<64x1024xf32, #tpu.memory_space<hbm>>
    tpu.wait_dma2 semaphore(%arg9 : memref<!tpu.dma_semaphore, #tpu.memory_space<semaphore_mem>>) src(%arg8 : memref<64x1024xf32, #tpu.memory_space<vmem>>) dst(%dma_wait3A_752 : memref<64x1024xf32, #tpu.memory_space<hbm>>)
    %add3A_753 = arith.constant 0 : i32
    %add3A_754 = arith.addi %mul3A_2, %add3A_753 : i32
    %dma_wait3A_755 = arith.constant 17 : i32
    %dma_wait3A_756 = arith.constant 0 : i32
    %dma_wait3A_757 = tpu.memref_slice %arg5[%dma_wait3A_755, %add3A_754, %dma_wait3A_756] : memref<20x4096x1024xf32, #tpu.memory_space<hbm>> -> memref<1x64x1024xf32, #tpu.memory_space<hbm>>
    %dma_wait3A_758 = tpu.memref_squeeze %dma_wait3A_757 : memref<1x64x1024xf32, #tpu.memory_space<hbm>> -> memref<64x1024xf32, #tpu.memory_space<hbm>>
    %dma_wait3A_759 = arith.constant 0 : i32
    %dma_wait3A_760 = tpu.memref_slice %arg5[%dma_wait3A_755, %add3A_754, %dma_wait3A_759] : memref<20x4096x1024xf32, #tpu.memory_space<hbm>> -> memref<1x64x1024xf32, #tpu.memory_space<hbm>>
    %dma_wait3A_761 = tpu.memref_squeeze %dma_wait3A_760 : memref<1x64x1024xf32, #tpu.memory_space<hbm>> -> memref<64x1024xf32, #tpu.memory_space<hbm>>
    tpu.wait_dma2 semaphore(%arg9 : memref<!tpu.dma_semaphore, #tpu.memory_space<semaphore_mem>>) src(%arg8 : memref<64x1024xf32, #tpu.memory_space<vmem>>) dst(%dma_wait3A_761 : memref<64x1024xf32, #tpu.memory_space<hbm>>)
    %add3A_762 = arith.constant 64 : i32
    %add3A_763 = arith.addi %mul3A_2, %add3A_762 : i32
    %dma_wait3A_764 = arith.constant 17 : i32
    %dma_wait3A_765 = arith.constant 0 : i32
    %dma_wait3A_766 = tpu.memref_slice %arg5[%dma_wait3A_764, %add3A_763, %dma_wait3A_765] : memref<20x4096x1024xf32, #tpu.memory_space<hbm>> -> memref<1x64x1024xf32, #tpu.memory_space<hbm>>
    %dma_wait3A_767 = tpu.memref_squeeze %dma_wait3A_766 : memref<1x64x1024xf32, #tpu.memory_space<hbm>> -> memref<64x1024xf32, #tpu.memory_space<hbm>>
    %dma_wait3A_768 = arith.constant 0 : i32
    %dma_wait3A_769 = tpu.memref_slice %arg5[%dma_wait3A_764, %add3A_763, %dma_wait3A_768] : memref<20x4096x1024xf32, #tpu.memory_space<hbm>> -> memref<1x64x1024xf32, #tpu.memory_space<hbm>>
    %dma_wait3A_770 = tpu.memref_squeeze %dma_wait3A_769 : memref<1x64x1024xf32, #tpu.memory_space<hbm>> -> memref<64x1024xf32, #tpu.memory_space<hbm>>
    tpu.wait_dma2 semaphore(%arg9 : memref<!tpu.dma_semaphore, #tpu.memory_space<semaphore_mem>>) src(%arg8 : memref<64x1024xf32, #tpu.memory_space<vmem>>) dst(%dma_wait3A_770 : memref<64x1024xf32, #tpu.memory_space<hbm>>)
    %add3A_771 = arith.constant 0 : i32
    %add3A_772 = arith.addi %mul3A_2, %add3A_771 : i32
    %dma_wait3A_773 = arith.constant 18 : i32
    %dma_wait3A_774 = arith.constant 0 : i32
    %dma_wait3A_775 = tpu.memref_slice %arg5[%dma_wait3A_773, %add3A_772, %dma_wait3A_774] : memref<20x4096x1024xf32, #tpu.memory_space<hbm>> -> memref<1x64x1024xf32, #tpu.memory_space<hbm>>
    %dma_wait3A_776 = tpu.memref_squeeze %dma_wait3A_775 : memref<1x64x1024xf32, #tpu.memory_space<hbm>> -> memref<64x1024xf32, #tpu.memory_space<hbm>>
    %dma_wait3A_777 = arith.constant 0 : i32
    %dma_wait3A_778 = tpu.memref_slice %arg5[%dma_wait3A_773, %add3A_772, %dma_wait3A_777] : memref<20x4096x1024xf32, #tpu.memory_space<hbm>> -> memref<1x64x1024xf32, #tpu.memory_space<hbm>>
    %dma_wait3A_779 = tpu.memref_squeeze %dma_wait3A_778 : memref<1x64x1024xf32, #tpu.memory_space<hbm>> -> memref<64x1024xf32, #tpu.memory_space<hbm>>
    tpu.wait_dma2 semaphore(%arg9 : memref<!tpu.dma_semaphore, #tpu.memory_space<semaphore_mem>>) src(%arg8 : memref<64x1024xf32, #tpu.memory_space<vmem>>) dst(%dma_wait3A_779 : memref<64x1024xf32, #tpu.memory_space<hbm>>)
    %add3A_780 = arith.constant 64 : i32
    %add3A_781 = arith.addi %mul3A_2, %add3A_780 : i32
    %dma_wait3A_782 = arith.constant 18 : i32
    %dma_wait3A_783 = arith.constant 0 : i32
    %dma_wait3A_784 = tpu.memref_slice %arg5[%dma_wait3A_782, %add3A_781, %dma_wait3A_783] : memref<20x4096x1024xf32, #tpu.memory_space<hbm>> -> memref<1x64x1024xf32, #tpu.memory_space<hbm>>
    %dma_wait3A_785 = tpu.memref_squeeze %dma_wait3A_784 : memref<1x64x1024xf32, #tpu.memory_space<hbm>> -> memref<64x1024xf32, #tpu.memory_space<hbm>>
    %dma_wait3A_786 = arith.constant 0 : i32
    %dma_wait3A_787 = tpu.memref_slice %arg5[%dma_wait3A_782, %add3A_781, %dma_wait3A_786] : memref<20x4096x1024xf32, #tpu.memory_space<hbm>> -> memref<1x64x1024xf32, #tpu.memory_space<hbm>>
    %dma_wait3A_788 = tpu.memref_squeeze %dma_wait3A_787 : memref<1x64x1024xf32, #tpu.memory_space<hbm>> -> memref<64x1024xf32, #tpu.memory_space<hbm>>
    tpu.wait_dma2 semaphore(%arg9 : memref<!tpu.dma_semaphore, #tpu.memory_space<semaphore_mem>>) src(%arg8 : memref<64x1024xf32, #tpu.memory_space<vmem>>) dst(%dma_wait3A_788 : memref<64x1024xf32, #tpu.memory_space<hbm>>)
    %add3A_789 = arith.constant 0 : i32
    %add3A_790 = arith.addi %mul3A_2, %add3A_789 : i32
    %dma_wait3A_791 = arith.constant 19 : i32
    %dma_wait3A_792 = arith.constant 0 : i32
    %dma_wait3A_793 = tpu.memref_slice %arg5[%dma_wait3A_791, %add3A_790, %dma_wait3A_792] : memref<20x4096x1024xf32, #tpu.memory_space<hbm>> -> memref<1x64x1024xf32, #tpu.memory_space<hbm>>
    %dma_wait3A_794 = tpu.memref_squeeze %dma_wait3A_793 : memref<1x64x1024xf32, #tpu.memory_space<hbm>> -> memref<64x1024xf32, #tpu.memory_space<hbm>>
    %dma_wait3A_795 = arith.constant 0 : i32
    %dma_wait3A_796 = tpu.memref_slice %arg5[%dma_wait3A_791, %add3A_790, %dma_wait3A_795] : memref<20x4096x1024xf32, #tpu.memory_space<hbm>> -> memref<1x64x1024xf32, #tpu.memory_space<hbm>>
    %dma_wait3A_797 = tpu.memref_squeeze %dma_wait3A_796 : memref<1x64x1024xf32, #tpu.memory_space<hbm>> -> memref<64x1024xf32, #tpu.memory_space<hbm>>
    tpu.wait_dma2 semaphore(%arg9 : memref<!tpu.dma_semaphore, #tpu.memory_space<semaphore_mem>>) src(%arg8 : memref<64x1024xf32, #tpu.memory_space<vmem>>) dst(%dma_wait3A_797 : memref<64x1024xf32, #tpu.memory_space<hbm>>)
    %add3A_798 = arith.constant 64 : i32
    %add3A_799 = arith.addi %mul3A_2, %add3A_798 : i32
    %dma_wait3A_800 = arith.constant 19 : i32
    %dma_wait3A_801 = arith.constant 0 : i32
    %dma_wait3A_802 = tpu.memref_slice %arg5[%dma_wait3A_800, %add3A_799, %dma_wait3A_801] : memref<20x4096x1024xf32, #tpu.memory_space<hbm>> -> memref<1x64x1024xf32, #tpu.memory_space<hbm>>
    %dma_wait3A_803 = tpu.memref_squeeze %dma_wait3A_802 : memref<1x64x1024xf32, #tpu.memory_space<hbm>> -> memref<64x1024xf32, #tpu.memory_space<hbm>>
    %dma_wait3A_804 = arith.constant 0 : i32
    %dma_wait3A_805 = tpu.memref_slice %arg5[%dma_wait3A_800, %add3A_799, %dma_wait3A_804] : memref<20x4096x1024xf32, #tpu.memory_space<hbm>> -> memref<1x64x1024xf32, #tpu.memory_space<hbm>>
    %dma_wait3A_806 = tpu.memref_squeeze %dma_wait3A_805 : memref<1x64x1024xf32, #tpu.memory_space<hbm>> -> memref<64x1024xf32, #tpu.memory_space<hbm>>
    tpu.wait_dma2 semaphore(%arg9 : memref<!tpu.dma_semaphore, #tpu.memory_space<semaphore_mem>>) src(%arg8 : memref<64x1024xf32, #tpu.memory_space<vmem>>) dst(%dma_wait3A_806 : memref<64x1024xf32, #tpu.memory_space<hbm>>)
    return
  }
}

module attributes {stable_mosaic.version = 14 : i64} {
  func.func @onehot_tc(%arg0: i32, %arg1: i32, %arg2: memref<20x4096xf32, #tpu.memory_space<vmem>>, %arg3: memref<1x200x4096xf32, #tpu.memory_space<vmem>>) attributes {dimension_semantics = [#tpu.dimension_semantics<arbitrary>, #tpu.dimension_semantics<arbitrary>], iteration_bounds = array<i64: 20, 5>, scalar_prefetch = 0 : i64, scratch_operands = 0 : i64, tpu.core_type = #tpu.core_type<tc>, window_params = [{pipeline_mode = #tpu.pipeline_mode<synchronous>, transform_indices = @transform_0, window_bounds = array<i64: 20, 4096>}, {transform_indices = @transform_1, window_bounds = array<i64: 1, 200, 4096>}]} {
    %get3A = arith.index_cast %arg0 : i32 to index
    %get3A_0 = arith.constant 0 : index
    %get3A_1 = vector.load %arg2[%get3A, %get3A_0] : memref<20x4096xf32, #tpu.memory_space<vmem>>, vector<1x4096xf32>
    %get3A_2 = vector.shape_cast %get3A_1 : vector<1x4096xf32> to vector<4096xf32>
    %convert_element_type3A = arith.fptosi %get3A_2 : vector<4096xf32> to vector<4096xi32>
    %iota3A = tpu.iota {dimensions = array<i32: 0>} : vector<200x4096xi32>
    %mul3A = arith.constant 200 : i32
    %mul3A_3 = arith.muli %arg1, %mul3A : i32
    %add3A = vector.broadcast %mul3A_3 : i32 to vector<200x4096xi32>
    %add3A_4 = arith.addi %iota3A, %add3A : vector<200x4096xi32>
    %broadcast_in_dim3A = vector.shape_cast %convert_element_type3A : vector<4096xi32> to vector<1x4096xi32>
    %eq3A = vector.broadcast %broadcast_in_dim3A : vector<1x4096xi32> to vector<200x4096xi32>
    %eq3A_5 = arith.cmpi eq, %add3A_4, %eq3A : vector<200x4096xi32>
    %jit3A = arith.constant 1.000000e+00 : f32
    %jit3A_6 = arith.constant 0.000000e+00 : f32
    %broadcast_in_dim3A_7 = vector.broadcast %jit3A : f32 to vector<200x4096xf32>
    %broadcast_in_dim3A_8 = vector.broadcast %jit3A_6 : f32 to vector<200x4096xf32>
    %select_n3A = arith.select %eq3A_5, %broadcast_in_dim3A_7, %broadcast_in_dim3A_8 : vector<200x4096xi1>, vector<200x4096xf32>
    %swap3A = arith.constant 0 : index
    %swap3A_9 = arith.constant 0 : index
    %swap3A_10 = arith.constant 0 : index
    %swap3A_11 = vector.load %arg3[%swap3A, %swap3A_9, %swap3A_10] : memref<1x200x4096xf32, #tpu.memory_space<vmem>>, vector<1x200x4096xf32>
    %swap3A_12 = vector.shape_cast %swap3A_11 : vector<1x200x4096xf32> to vector<200x4096xf32>
    %swap3A_13 = vector.shape_cast %select_n3A : vector<200x4096xf32> to vector<1x200x4096xf32>
    tpu.vector_store %arg3[%swap3A, %swap3A_9, %swap3A_10], %swap3A_13 {strides = array<i32>} : memref<1x200x4096xf32, #tpu.memory_space<vmem>>, vector<1x200x4096xf32>,
    return
  }
  func.func @transform_0(%arg0: i32, %arg1: i32) -> (i32, i32) {
    %c0_i32 = arith.constant 0 : i32
    %c0_i32_0 = arith.constant 0 : i32
    %c0_i32_1 = arith.constant 0 : i32
    return %c0_i32, %c0_i32_0 : i32, i32
  }
  func.func @transform_1(%arg0: i32, %arg1: i32) -> (i32, i32, i32) {
    %c0_i32 = arith.constant 0 : i32
    %c0_i32_0 = arith.constant 0 : i32
    return %arg0, %arg1, %c0_i32 : i32, i32, i32
  }
}

</mosaic_0001>

<sc_bundles>
// kernel: eos_hidden_sc.3.cloned.1.call-start
scs
__scs_entry_jumppad:
0x0: {  	(pc) =	sbr.rel $0x88, $3  }
0x1: {  	(tag) =	ssettag $0x0;
	lr =	simm.s32 $0x1  }
0x2: {  	[smem:$0x3F9F] =	sst lr;
	_ =	strace $0xD0000000  }
0x3: {  	_ = 	snop  }
0x4: {  	_ = 	snop  }
0x5: {  	_ = 	snop  }
0x6: {  	_ = 	snop  }
0x7: {  	_ = 	snop  }
__scs_overlays_trampoline_lowered:
0x8: {  	[smem:$0x3FAE] =	sst s0  }
0x9: {  	[smem:$0x3FAF] =	sst s1  }
0xa: {  	[smem:$0x3FB0] =	sst s2  }
0xb: {  	[smem:$0x3FB1] =	sst s3  }
0xc: {  	[smem:$0x3FB2] =	sst s4  }
0xd: {  	[smem:$0x3FB3] =	sst s5  }
0xe: {  	[smem:$0x3FB4] =	sst s6  }
0xf: {  	[smem:$0x3FB5] =	sst s7  }
0x10: {  	[smem:$0x3FB6] =	sst s8  }
0x11: {  	[smem:$0x3FB7] =	sst s9;
	s0 =	simm.s32 @!p0 $0x0  }
0x12: {  	s1 =	sld [smem:$0x3F9D];
	s0 =	simm.s32 @p0 $0x1  }
0x13: {  	[smem:$0x3FB8] =	sst s0;
	s0 =	simm.s32 @!p1 $0x0  }
0x14: {  	s2 =	sld [smem:$0x3F9C];
	s0 =	simm.s32 @p1 $0x1  }
0x15: {  	[smem:$0x3FB9] =	sst s0;
	s0 =	simm.s32 @!p2 $0x0  }
0x16: {  	s3 =	sld [smem:$0x3FDB];
	s0 =	simm.s32 @p2 $0x1  }
0x17: {  	s4 =	simm.s32 $0x1BF5;
	[smem:$0x3FBB] =	sst s0  }
0x18: {  	s0 =	sld [smem:$0x3F9E];
	_ =	swait.ge [sflag:s4], $0x0  }
0x19: {  	s7 =	sld [smem:$0x3F9F]  }
0x1a: {  	s8 =	sadd.s32 $0xFFFFE003, lr  }
0x1b: {  	s9 =	sadd.s32 $0xFFFFFEF7, lr;
	s5 =	simm.s32 $0xFFFFFFFF;
	p2 =	slt.u32 s8, $0xFFFFF086  }
0x1c: {  	p1 =	slt.u32 s9, $0xF7A;
	s5 =	simm.s32 @!p2 $0x0  }
0x1d: {  	s5 =	simm.s32 @p1 $0x1;
	p0 =	seq.s32 s7, s2  }
0x1e: {  	s7 =	smul.u32 @!p0 $0xF7A, s2;
	p2 =	seq.s32 @!p0 s5, $0x0  }
0x1f: {  	s9 =	smul.u32 $0xF7A, s1;
	s8 =	simm.s32 @!p0 $0x1BF5;
	p2 =	por !p2, p0  }
0x20: {  	[sflag:s8] =	ssyncset.s32 @!p0 $0xFFFFF086;
	s6 =	sadd.s32 @!p0 s3, s7;
	s7 =	simm.s32 @!p0 $0x108  }
0x21: {  	s3 =	sadd.s32 s3, s9;
	s6 =	sadd.s32 @!p0 $0x88, s6;
	s7 =	simm.s32 @p2 $0x1082  }
0x22: {  	[simem:s7], [sflag:s8] =	dma.local @!p0 [hbm:s6], $0xF7A  }
0x23: {  	s9 =	sor.u32 $0xD0000000, s2;
	s6 =	simm.s32 $0x108;
	_ =	swait.ge @!p0 [sflag:s8], $0x0  }
0x24: {  	s3 =	sadd.s32 $0x88, s3;
	s6 =	simm.s32 @!p1 $0x1082;
	[sflag:s4] =	ssyncset.s32 $0xFFFFF086  }
0x25: {  	[simem:s6], [sflag:s4] =	dma.local [hbm:s3], $0xF7A  }
0x26: {  	[smem:$0x3F9F] =	sst s1;
	(tag) =	ssettag s2;
	_ =	strace s9  }
0x27: {  	s1 =	sld [smem:$0x3FAF]  }
0x28: {  	s2 =	sld [smem:$0x3FB0]  }
0x29: {  	s4 =	sld [smem:$0x3FB2]  }
0x2a: {  	p0 =	seq.s32 s5, $0x0;
	s5 =	sld [smem:$0x3FB3]  }
0x2b: {  	s6 =	sld [smem:$0x3FB4]  }
0x2c: {  	s7 =	sld [smem:$0x3FB5]  }
0x2d: {  	s3 =	simm.s32 $0x108;
	s8 =	sld [smem:$0x3FB6]  }
0x2e: {  	s3 =	simm.s32 @!p0 $0x1082;
	s9 =	sld [smem:$0x3FB7]  }
0x2f: {  	lr =	sadd.s32 s0, s3;
	s0 =	sld [smem:$0x3FAE]  }
0x30: {  	s3 =	sld [smem:$0x3FB1]  }
0x31: {  	[smem:$0x3FBA] =	sst s10  }
0x32: {  	s10 =	sld [smem:$0x3FB8];
	_ =	sdelay $0x3  }
0x33: {  	p0 =	seq.s32 s10, $0x1;
	s10 =	sld [smem:$0x3FBA];
	_ =	sdelay $0x3  }
0x34: {  	[smem:$0x3FBA] =	sst s10  }
0x35: {  	s10 =	sld [smem:$0x3FB9];
	_ =	sdelay $0x3  }
0x36: {  	p1 =	seq.s32 s10, $0x1;
	s10 =	sld [smem:$0x3FBA];
	_ =	sdelay $0x3  }
0x37: {  	[smem:$0x3FBA] =	sst s10  }
0x38: {  	s10 =	sld [smem:$0x3FBB]  }
0x39: {  	_ = 	snop;
	(pc) =	sbr.ind lr, $3  }
0x3a: {  	_ = 	snop  }
0x3b: {  	_ = 	snop  }
0x3c: {  	p2 =	seq.s32 s10, $0x1;
	s10 =	sld [smem:$0x3FBA]  }
0x3d: {  	_ =	shalt  }
0x3e: {  	_ =	shalt  }
0x3f: {  	_ =	shalt  }
0x40: {  	_ =	shalt  }
0x41: {  	_ =	shalt  }
0x42: {  	_ =	shalt  }
0x43: {  	_ =	shalt  }
0x44: {  	_ =	shalt  }
0x45: {  	_ =	shalt  }
0x46: {  	_ =	shalt  }
0x47: {  	_ =	shalt  }
0x48: {  	_ =	shalt  }
0x49: {  	_ =	shalt  }
0x4a: {  	_ =	shalt  }
0x4b: {  	_ =	shalt  }
0x4c: {  	_ =	shalt  }
0x4d: {  	_ =	shalt  }
0x4e: {  	_ =	shalt  }
0x4f: {  	_ =	shalt  }
0x50: {  	_ =	shalt  }
0x51: {  	_ =	shalt  }
0x52: {  	_ =	shalt  }
0x53: {  	_ =	shalt  }
0x54: {  	_ =	shalt  }
0x55: {  	_ =	shalt  }
0x56: {  	_ =	shalt  }
0x57: {  	_ =	shalt  }
0x58: {  	_ =	shalt  }
0x59: {  	_ =	shalt  }
0x5a: {  	_ =	shalt  }
0x5b: {  	_ =	shalt  }
0x5c: {  	_ =	shalt  }
0x5d: {  	_ =	shalt  }
0x5e: {  	_ =	shalt  }
0x5f: {  	_ =	shalt  }
0x60: {  	_ =	shalt  }
0x61: {  	_ =	shalt  }
0x62: {  	_ =	shalt  }
0x63: {  	_ =	shalt  }
0x64: {  	_ =	shalt  }
0x65: {  	_ =	shalt  }
0x66: {  	_ =	shalt  }
0x67: {  	_ =	shalt  }
0x68: {  	_ =	shalt  }
0x69: {  	_ =	shalt  }
0x6a: {  	_ =	shalt  }
0x6b: {  	_ =	shalt  }
0x6c: {  	_ =	shalt  }
0x6d: {  	_ =	shalt  }
0x6e: {  	_ =	shalt  }
0x6f: {  	_ =	shalt  }
0x70: {  	_ =	shalt  }
0x71: {  	_ =	shalt  }
0x72: {  	_ =	shalt  }
0x73: {  	_ =	shalt  }
0x74: {  	_ =	shalt  }
0x75: {  	_ =	shalt  }
0x76: {  	_ =	shalt  }
0x77: {  	_ =	shalt  }
0x78: {  	_ =	shalt  }
0x79: {  	_ =	shalt  }
0x7a: {  	_ =	shalt  }
0x7b: {  	_ =	shalt  }
0x7c: {  	_ =	shalt  }
0x7d: {  	_ =	shalt  }
0x7e: {  	_ =	shalt  }
0x7f: {  	_ =	shalt  }
0x80: {  	_ =	shalt  }
0x81: {  	_ =	shalt  }
0x82: {  	_ =	shalt  }
0x83: {  	_ =	shalt  }
0x84: {  	_ =	shalt  }
0x85: {  	_ =	shalt  }
0x86: {  	_ =	shalt  }
0x87: {  	_ =	shalt  }
.Lfunc_end0:
.L_simem_size_0:
called_computation_lowered:
.L_overlay_start_0:
0x88: {  	s2 =	sld [smem:$0x3FD9]  }
0x89: {  	s3 =	sld [smem:$0x3FFE];
	_ =	sdelay $0x1  }
0x8a: {  	s1 =	srdreg.scid  }
0x8b: {  	s0 =	sand.u32 $0x1, s1  }
0x8c: {  	s15 =	sshll.u32 s0, $0xA;
	s2 =	sadd.s32 s3, s2  }
0x8d: {  	s2 =	sadd.s32 s2, s15  }
0x8e: {  	[smem:$0x3FC6] =	sst s2  }
0x8f: {  	_ = 	snop  }
0x90: {  	s2 =	sld [smem:$0x3FD0];
	_ =	sdelay $0x1  }
0x91: {  	s16 =	sld [smem:$0x3FC9]  }
0x92: {  	s5 =	simm.s32 $0xA;
	s6 =	simm.s32 $0x10;
	s4 =	sld [smem:$0x3FC8]  }
0x93: {  	[smem:s6], [sflag:s5] =	dma.local [hbm:s2], $0x1  }
0x94: {  	_ =	swait.eq [sflag:s5], $0x1  }
0x95: {  	[sflag:s5] =	ssyncset.done $0x0  }
0x96: {  	s17 =	sld [smem:$0x10];
	[sflag:s5] =	ssyncadd.s32 $0xFFFFFFFF  }
0x97: {  	s18 =	sld [smem:$0x12];
	(tm) =	ssettm $0x1  }
0x98: {  	s19 =	sld [smem:$0x3FFB];
	_ =	sdelay $0x3  }
0x99: {  	_ =	strace s19  }
0x9a: {  	s6 =	sld [smem:$0x3FFC];
	_ =	sdelay $0x3  }
0x9b: {  	_ =	strace s6  }
0x9c: {  	s6 =	sld [smem:$0x3FFD];
	_ =	sdelay $0x3  }
0x9d: {  	_ =	strace s6  }
0x9e: {  	_ =	strace $0x8FFFFFFF  }
0x9f: {  	s20 =	sld [smem:$0x3FDB];
	_ =	sdelay $0x1  }
0xa0: {  	s7 =	simm.s32 $_scs_section_size  }
0xa1: {  	s8 =	simm.s32 $_size__tile_overlayer_lowered;
	s9 =	simm.s32 $_tile_overlayer_lowered  }
0xa2: {  	s23 =	simm.s32 $0x1BFF;
	s22 =	sshll.u32 s9, $0x1;
	s6 =	sadd.s32 s7, s20  }
0xa3: {  	s10 =	simm.s32 $0x0;
	s21 =	sshll.u32 s8, $0x1;
	s8 =	sadd.s32 s22, s6  }
0xa4: {  	[timem:s10], [sflag:s23] =	dma.local [hbm:s8], s21  }
0xa5: {  	_ =	swait.ge [sflag:s23], s21  }
0xa6: {  	s7 =	ssub.s32 $0x0, s21;
	[sflag:s23] =	ssyncset.done $0x0  }
0xa7: {  	[sflag:s23] =	ssyncadd.s32 s7;
	_ =	sdelay $0x1  }
0xa8: {  	s24 =	simm.s32 $0x1B8B  }
0xa9: {  	_ =	swait.ge [sflag:s24], $0x1  }
0xaa: {  	[sflag:s24] =	ssyncset.done $0x0  }
0xab: {  	s25 =	simm.s32 $0x1B8E;
	[sflag:s24] =	ssyncadd.s32 $0xFFFFFFFF  }
0xac: {  	s26 =	simm.s32 $execute0_lowered;
	[smem:$0x3FD2] =	sst s25  }
0xad: {  	s7 =	sshll.u32 s26, $0x1;
	_ =	strace $0x80000046;
	[dreg:$0x1] =	wrdreg $0xFFFFFFFF  }
0xae: {  	s28 =	simm.s32 $_size_execute0_lowered;
	s6 =	sadd.s32 s6, s7;
	[dreg:$0x0] =	wrdreg $0x0  }
0xaf: {  	s7 =	sshll.u32 s28, $0x1;
	[dreg:$0x2] =	wrdreg s6  }
0xb0: {  	[dreg:$0x3] =	wrdreg s7  }
0xb1: {  	[dreg:$0x4] =	wrdreg $0xC0  }
0xb2: {  	_ =	task [dreg:s10], $0x5FFFF  }
0xb3: {  	[dreg:$0x1] =	wrdreg $0xFFFFFFFF  }
0xb4: {  	[dreg:$0x0] =	wrdreg $0x60  }
0xb5: {  	[dreg:$0x2] =	wrdreg s16  }
0xb6: {  	[dreg:$0x3] =	wrdreg s4  }
0xb7: {  	[dreg:$0x4] =	wrdreg s17  }
0xb8: {  	[dreg:$0x5] =	wrdreg s18  }
0xb9: {  	[dreg:$0x6] =	wrdreg $0x9  }
0xba: {  	_ =	task.clear_ibuf [dreg:s10], $0x7FFFF;
	_ =	strace $0x90000046  }
0xbb: {  	s29 =	simm.s32 $0x9;
	_ =	strace $0x80000048  }
0xbc: {  	_ =	swait.ge [sflag:s29], $0x1  }
0xbd: {  	[sflag:s29] =	ssyncadd.s32 $0xFFFFFFFF  }
0xbe: {  	_ =	strace $0x90000048  }
0xbf: {  	_ =	sfence  }
0xc0: {  	s30 =	sld [smem:$0x0];
	_ =	sdelay $0x2  }
0xc1: {  	s31 =	sshll.u32 s1, $0xD;
	s1 =	sshrl.u32 s1, $0x2  }
0xc2: {  	s3 =	sand.u32 $0x4000, s31;
	s1 =	sadd.s32 s1, s30  }
0xc3: {  	s0 =	sor.u32 s3, s0;
	s1 =	sshll.u32 s1, $0x11  }
0xc4: {  	s0 =	sor.u32 s1, s0  }
0xc5: {  	s0 =	sadd.s32 $0x8F2B, s0  }
0xc6: {  	[sflag:s0] =	ssyncadd.remote.s32 $0x1  }
0xc7: {  	_ =	sfence.sel $0xFFFF  }
0xc8: {  	[dreg:$0x0] =	wrdreg $0xFFFFFFFF;
	(pc) =	sbr.abs _section_cstart, $3  }
0xc9: {  	[dreg:$0x1] =	wrdreg $0xFFFFFFFF  }
0xca: {  	_ =	task.clear_ibuf [dreg:s10], $0x2FFFF;
	_ =	strace $0x9FFFFFFF  }
0xcb: {  	(tm) =	ssettm $0x7FFFFFFF  }
tec
execute0_lowered:
.L_overlay_start_1:
0x0: {  	(tag) =	ssettag $0x1  }
0x1: {  	s0 =	rddreg [dreg:$0x0]  }
0x2: {  	s1 =	rddreg [dreg:$0x2]  }
0x3: {  	s2 =	rddreg [dreg:$0x3];
	s3 =	srdreg.scid  }
0x4: {  	s5 =	stileid.u32;
	s4 =	sand.u32 $0x1, s3;
	s3 =	simm.s32 $0x0  }
0x5: {  	s5 =	sshll.u32 s5, $0x8;
	s6 =	sshll.u32 s4, $0x7;
	[smem:$0x7FF] =	sst s3  }
0x6: {  	s4 =	ssub.s32 $0x2, s4;
	s6 =	sor.u32 s6, s5;
	_ =	strace $0x80000047  }
0x7: {  	s31 =	sshrl.u32 s4, $0x1;
	s7 =	sshll.u32 s6, $0x7;
	s0 =	sadd.s32 s0, s6  }
0x8: {  	s4 =	ssub.s32 s4, s31;
	[dreg:$0x5] =	wrdreg s0;
	s0 =	sadd.s32 $0x2000, s0  }
0x9: {  	s5 =	sadd.s32 s2, s7;
	s24 =	smax.u32 s4, $0x1;
	[dreg:$0x6] =	wrdreg s0  }
0xa: {  	s2 =	sadd.s32 $0x2000, s5;
	[dreg:$0x18] =	wrdreg s24  }
0xb: {  	s7 =	sadd.s32 $0x80000, s5;
	[dreg:$0x7] =	wrdreg s2  }
0xc: {  	s8 =	sadd.s32 $0x82000, s5;
	[dreg:$0x8] =	wrdreg s7  }
0xd: {  	s9 =	sadd.s32 $0x100000, s5;
	[dreg:$0x9] =	wrdreg s8  }
0xe: {  	s10 =	sadd.s32 $0x102000, s5;
	[dreg:$0xa] =	wrdreg s9  }
0xf: {  	s11 =	sadd.s32 $0x180000, s5;
	[dreg:$0xb] =	wrdreg s10  }
0x10: {  	s12 =	sadd.s32 $0x182000, s5;
	[dreg:$0xc] =	wrdreg s11  }
0x11: {  	s13 =	sadd.s32 $0x200000, s5;
	[dreg:$0xd] =	wrdreg s12  }
0x12: {  	s14 =	sadd.s32 $0x202000, s5;
	[dreg:$0xe] =	wrdreg s13  }
0x13: {  	s15 =	sadd.s32 $0x280000, s5;
	[dreg:$0xf] =	wrdreg s14  }
0x14: {  	s16 =	sadd.s32 $0x282000, s5;
	[dreg:$0x10] =	wrdreg s15  }
0x15: {  	s17 =	sadd.s32 $0x300000, s5;
	[dreg:$0x11] =	wrdreg s16  }
0x16: {  	s18 =	sadd.s32 $0x302000, s5;
	[dreg:$0x12] =	wrdreg s17  }
0x17: {  	s19 =	sadd.s32 $0x380000, s5;
	[dreg:$0x13] =	wrdreg s18  }
0x18: {  	s20 =	sadd.s32 $0x382000, s5;
	[dreg:$0x14] =	wrdreg s19  }
0x19: {  	s21 =	sadd.s32 $0x400000, s5;
	[dreg:$0x15] =	wrdreg s20  }
0x1a: {  	s22 =	sadd.s32 $0x402000, s5;
	[dreg:$0x16] =	wrdreg s21  }
0x1b: {  	s28 =	simm.s32 $0x0;
	s25 =	sadd.s32 $0x480000, s5;
	[dreg:$0x17] =	wrdreg s22  }
0x1c: {  	s23 =	sadd.s32 s1, s6;
	s26 =	sadd.s32 $0x482000, s5;
	[dreg:$0x19] =	wrdreg s25  }
0x1d: {  	s29 =	sadd.s32 $0x500000, s5;
	s30 =	sadd.s32 $0x502000, s5;
	[dreg:$0x1a] =	wrdreg s26  }
0x1e: {  	s31 =	sadd.s32 $0x580000, s5;
	s0 =	sadd.s32 $0x582000, s5;
	[dreg:$0x1b] =	wrdreg s29  }
0x1f: {  	s1 =	sadd.s32 $0x602000, s5;
	s6 =	sadd.s32 $0x680000, s5;
	[dreg:$0x1c] =	wrdreg s30  }
0x20: {  	s24 =	simm.s32 $0x1800;
	[dreg:$0x1d] =	wrdreg s31;
	s2 =	sadd.s32 $0x600000, s5  }
0x21: {  	s7 =	sadd.s32 $0x682000, s5;
	s8 =	sadd.s32 $0x700000, s5;
	s9 =	sadd.s32 $0x702000, s5  }
0x22: {  	s10 =	sadd.s32 $0x780000, s5;
	s11 =	sadd.s32 $0x782000, s5;
	s12 =	sadd.s32 $0x800000, s5  }
0x23: {  	v0 =	vlaneseq.u32;
	s13 =	sadd.s32 $0x802000, s5;
	s14 =	sadd.s32 $0x880000, s5;
	s15 =	sadd.s32 $0x882000, s5  }
0x24: {  	v1 =	vimm.s32 $0x0;
	v2 =	vor.u32 $0x10, v0;
	s16 =	sadd.s32 $0x900000, s5;
	s17 =	sadd.s32 $0x902000, s5;
	s18 =	sadd.s32 $0x980000, s5  }
0x25: {  	v3 =	vor.u32 $0x20, v0;
	v4 =	vor.u32 $0x30, v0;
	v5 =	vor.u32 $0x40, v0;
	s19 =	sadd.s32 $0x982000, s5;
	s20 =	simm.s32 $0x400;
	s21 =	simm.s32 $0x8000  }
0x26: {  	v6 =	vor.u32 $0x50, v0;
	v7 =	vor.u32 $0x60, v0;
	v8 =	vor.u32 $0x70, v0;
	s22 =	simm.s32 $0x2;
	s25 =	simm.s32 $0xC00;
	s26 =	simm.s32 $0x1  }
.LBB2_1:
0x27: {  	s4 =	rddreg [dreg:$0x5]  }
0x28: {  	[tilespmem:s3], [sflag:$0x2] =	stream.strided.gather [hbm4b:s4+s20], $0x800, s21, s20, $0x38;
	[tilespmem:$0x11800] =	vst v63  }
0x29: {  	s31 =	rddreg [dreg:$0x6];
	s29 =	simm.s32 $0x800  }
0x2a: {  	[tilespmem:s29], [sflag:$0x2] =	stream.linear.gather [hbm4b:s31+s3], $0x200, $0x38;
	[tilespmem:$0x11800] =	vst v63  }
0x2b: {  	_ =	swait.ge [sflag:s22], $0xA00  }
0x2c: {  	[sflag:s22] =	ssyncset.done $0x0  }
0x2d: {  	[sflag:s22] =	ssyncadd.s32 $0xFFFFF600  }
0x2e: {  	s29 =	rddreg [dreg:$0x1]  }
0x2f: {  	[tilespmem:s24], [sflag:$0x2] =	stream.linear.gather [hbm4b:s29+s3], $0x10000, $0x38;
	[tilespmem:$0x11800] =	vst v63  }
0x30: {  	_ =	swait.ge [sflag:s22], $0x10000  }
0x31: {  	[sflag:s22] =	ssyncset.done $0x0  }
0x32: {  	[sflag:s22] =	ssyncadd.s32 $0xFFFF0000  }
0x33: {  	[hbm4b:s5+s3] =	stream.linear.scatter [tilespmem:s24], [sflag:$0x1], $0x10000, $0x38;
	[tilespmem:$0x11800] =	vst v63  }
0x34: {  	s31 =	rddreg [dreg:$0x7]  }
0x35: {  	[hbm4b:s31+s3] =	stream.linear.scatter [tilespmem:s24], [sflag:$0x1], $0x10000, $0x38;
	[tilespmem:$0x11800] =	vst v63  }
0x36: {  	s29 =	rddreg [dreg:$0x8]  }
0x37: {  	[hbm4b:s29+s3] =	stream.linear.scatter [tilespmem:s24], [sflag:$0x1], $0x10000, $0x38;
	[tilespmem:$0x11800] =	vst v63  }
0x38: {  	s31 =	rddreg [dreg:$0x9]  }
0x39: {  	[hbm4b:s31+s3] =	stream.linear.scatter [tilespmem:s24], [sflag:$0x1], $0x10000, $0x38;
	[tilespmem:$0x11800] =	vst v63  }
0x3a: {  	s29 =	rddreg [dreg:$0xa]  }
0x3b: {  	[hbm4b:s29+s3] =	stream.linear.scatter [tilespmem:s24], [sflag:$0x1], $0x10000, $0x38;
	[tilespmem:$0x11800] =	vst v63  }
0x3c: {  	s31 =	rddreg [dreg:$0xb]  }
0x3d: {  	[hbm4b:s31+s3] =	stream.linear.scatter [tilespmem:s24], [sflag:$0x1], $0x10000, $0x38;
	[tilespmem:$0x11800] =	vst v63  }
0x3e: {  	s29 =	rddreg [dreg:$0xc]  }
0x3f: {  	[hbm4b:s29+s3] =	stream.linear.scatter [tilespmem:s24], [sflag:$0x1], $0x10000, $0x38;
	[tilespmem:$0x11800] =	vst v63  }
0x40: {  	s31 =	rddreg [dreg:$0xd]  }
0x41: {  	[hbm4b:s31+s3] =	stream.linear.scatter [tilespmem:s24], [sflag:$0x1], $0x10000, $0x38;
	[tilespmem:$0x11800] =	vst v63  }
0x42: {  	s29 =	rddreg [dreg:$0xe]  }
0x43: {  	[hbm4b:s29+s3] =	stream.linear.scatter [tilespmem:s24], [sflag:$0x1], $0x10000, $0x38;
	[tilespmem:$0x11800] =	vst v63  }
0x44: {  	s31 =	rddreg [dreg:$0xf]  }
0x45: {  	[hbm4b:s31+s3] =	stream.linear.scatter [tilespmem:s24], [sflag:$0x1], $0x10000, $0x38;
	[tilespmem:$0x11800] =	vst v63  }
0x46: {  	s29 =	rddreg [dreg:$0x10]  }
0x47: {  	[hbm4b:s29+s3] =	stream.linear.scatter [tilespmem:s24], [sflag:$0x1], $0x10000, $0x38;
	[tilespmem:$0x11800] =	vst v63  }
0x48: {  	s31 =	rddreg [dreg:$0x11]  }
0x49: {  	[hbm4b:s31+s3] =	stream.linear.scatter [tilespmem:s24], [sflag:$0x1], $0x10000, $0x38;
	[tilespmem:$0x11800] =	vst v63  }
0x4a: {  	s29 =	rddreg [dreg:$0x12]  }
0x4b: {  	[hbm4b:s29+s3] =	stream.linear.scatter [tilespmem:s24], [sflag:$0x1], $0x10000, $0x38;
	[tilespmem:$0x11800] =	vst v63  }
0x4c: {  	s31 =	rddreg [dreg:$0x13]  }
0x4d: {  	[hbm4b:s31+s3] =	stream.linear.scatter [tilespmem:s24], [sflag:$0x1], $0x10000, $0x38;
	[tilespmem:$0x11800] =	vst v63  }
0x4e: {  	s29 =	rddreg [dreg:$0x14]  }
0x4f: {  	[hbm4b:s29+s3] =	stream.linear.scatter [tilespmem:s24], [sflag:$0x1], $0x10000, $0x38;
	[tilespmem:$0x11800] =	vst v63  }
0x50: {  	s31 =	rddreg [dreg:$0x15]  }
0x51: {  	[hbm4b:s31+s3] =	stream.linear.scatter [tilespmem:s24], [sflag:$0x1], $0x10000, $0x38;
	[tilespmem:$0x11800] =	vst v63  }
0x52: {  	s29 =	rddreg [dreg:$0x16]  }
0x53: {  	[hbm4b:s29+s3] =	stream.linear.scatter [tilespmem:s24], [sflag:$0x1], $0x10000, $0x38;
	[tilespmem:$0x11800] =	vst v63  }
0x54: {  	s31 =	rddreg [dreg:$0x17]  }
0x55: {  	[hbm4b:s31+s3] =	stream.linear.scatter [tilespmem:s24], [sflag:$0x1], $0x10000, $0x38;
	[tilespmem:$0x11800] =	vst v63  }
0x56: {  	s29 =	rddreg [dreg:$0x19]  }
0x57: {  	[hbm4b:s29+s3] =	stream.linear.scatter [tilespmem:s24], [sflag:$0x1], $0x10000, $0x38;
	[tilespmem:$0x11800] =	vst v63  }
0x58: {  	s31 =	rddreg [dreg:$0x1a]  }
0x59: {  	[hbm4b:s31+s3] =	stream.linear.scatter [tilespmem:s24], [sflag:$0x1], $0x10000, $0x38;
	[tilespmem:$0x11800] =	vst v63  }
0x5a: {  	s29 =	rddreg [dreg:$0x1b]  }
0x5b: {  	[hbm4b:s29+s3] =	stream.linear.scatter [tilespmem:s24], [sflag:$0x1], $0x10000, $0x38;
	[tilespmem:$0x11800] =	vst v63  }
0x5c: {  	s31 =	rddreg [dreg:$0x1c]  }
0x5d: {  	[hbm4b:s31+s3] =	stream.linear.scatter [tilespmem:s24], [sflag:$0x1], $0x10000, $0x38;
	[tilespmem:$0x11800] =	vst v63  }
0x5e: {  	s29 =	rddreg [dreg:$0x1d]  }
0x5f: {  	[hbm4b:s29+s3] =	stream.linear.scatter [tilespmem:s24], [sflag:$0x1], $0x10000, $0x38;
	[tilespmem:$0x11800] =	vst v63  }
0x60: {  	_ = 	snop  }
0x61: {  	[hbm4b:s0+s3] =	stream.linear.scatter [tilespmem:s24], [sflag:$0x1], $0x10000, $0x38;
	[tilespmem:$0x11800] =	vst v63  }
0x62: {  	_ = 	snop  }
0x63: {  	[hbm4b:s2+s3] =	stream.linear.scatter [tilespmem:s24], [sflag:$0x1], $0x10000, $0x38;
	[tilespmem:$0x11800] =	vst v63  }
0x64: {  	_ = 	snop  }
0x65: {  	[hbm4b:s1+s3] =	stream.linear.scatter [tilespmem:s24], [sflag:$0x1], $0x10000, $0x38;
	[tilespmem:$0x11800] =	vst v63  }
0x66: {  	_ = 	snop  }
0x67: {  	[hbm4b:s6+s3] =	stream.linear.scatter [tilespmem:s24], [sflag:$0x1], $0x10000, $0x38;
	[tilespmem:$0x11800] =	vst v63  }
0x68: {  	_ = 	snop  }
0x69: {  	[hbm4b:s7+s3] =	stream.linear.scatter [tilespmem:s24], [sflag:$0x1], $0x10000, $0x38;
	[tilespmem:$0x11800] =	vst v63  }
0x6a: {  	_ = 	snop  }
0x6b: {  	[hbm4b:s8+s3] =	stream.linear.scatter [tilespmem:s24], [sflag:$0x1], $0x10000, $0x38;
	[tilespmem:$0x11800] =	vst v63  }
0x6c: {  	_ = 	snop  }
0x6d: {  	[hbm4b:s9+s3] =	stream.linear.scatter [tilespmem:s24], [sflag:$0x1], $0x10000, $0x38;
	[tilespmem:$0x11800] =	vst v63  }
0x6e: {  	_ = 	snop  }
0x6f: {  	[hbm4b:s10+s3] =	stream.linear.scatter [tilespmem:s24], [sflag:$0x1], $0x10000, $0x38;
	[tilespmem:$0x11800] =	vst v63  }
0x70: {  	_ = 	snop  }
0x71: {  	[hbm4b:s11+s3] =	stream.linear.scatter [tilespmem:s24], [sflag:$0x1], $0x10000, $0x38;
	[tilespmem:$0x11800] =	vst v63  }
0x72: {  	_ = 	snop  }
0x73: {  	[hbm4b:s12+s3] =	stream.linear.scatter [tilespmem:s24], [sflag:$0x1], $0x10000, $0x38;
	[tilespmem:$0x11800] =	vst v63  }
0x74: {  	_ = 	snop  }
0x75: {  	[hbm4b:s13+s3] =	stream.linear.scatter [tilespmem:s24], [sflag:$0x1], $0x10000, $0x38;
	[tilespmem:$0x11800] =	vst v63  }
0x76: {  	_ = 	snop  }
0x77: {  	[hbm4b:s14+s3] =	stream.linear.scatter [tilespmem:s24], [sflag:$0x1], $0x10000, $0x38;
	[tilespmem:$0x11800] =	vst v63  }
0x78: {  	_ = 	snop  }
0x79: {  	[hbm4b:s15+s3] =	stream.linear.scatter [tilespmem:s24], [sflag:$0x1], $0x10000, $0x38;
	[tilespmem:$0x11800] =	vst v63  }
0x7a: {  	_ = 	snop  }
0x7b: {  	[hbm4b:s16+s3] =	stream.linear.scatter [tilespmem:s24], [sflag:$0x1], $0x10000, $0x38;
	[tilespmem:$0x11800] =	vst v63  }
0x7c: {  	s31 =	simm.s32 $0x0  }
0x7d: {  	v9 =	vor.u32 s31, v0;
	[hbm4b:s17+s3] =	stream.linear.scatter [tilespmem:s24], [sflag:$0x1], $0x10000, $0x38;
	[tilespmem:$0x11800] =	vst v63  }
0x7e: {  	_ = 	snop  }
0x7f: {  	[hbm4b:s18+s3] =	stream.linear.scatter [tilespmem:s24], [sflag:$0x1], $0x10000, $0x38;
	[tilespmem:$0x11800] =	vst v63  }
0x80: {  	_ = 	snop  }
0x81: {  	[hbm4b:s19+s3] =	stream.linear.scatter [tilespmem:s24], [sflag:$0x1], $0x10000, $0x38;
	[tilespmem:$0x11800] =	vst v63  }
0x82: {  	v10 =	vld.idx.msk [tilespmem:v9+s3+$0x0], $0xffff;
	_ =	sdelay $0x4  }
0x83: {  	v10 =	vtrunc.f32 v10  }
0x84: {  	v11 =	vcvt.f32.s32 v10;
	_ =	sdelay $0x1  }
0x85: {  	s30 =	simm.s32 $0x80;
	s4 =	simm.s32 $0x2;
	v10 =	vimm.s32 $0x0;
	vm0 =	veq.s32 v11, $0x0  }
.LBB2_2:
0x86: {  	p0 =	sne.s32 s4, $0x13;
	v12 =	vor.u32 s30, v0;
	v13 =	vsel vm0, $0x1, v1  }
0x87: {  	v10 =	vor.u32 v13, v10  }
0x88: {  	vm0 =	veq.s32 v10, $0x1  }
0x89: {  	v11 =	vsel vm0, $0x0, v11  }
0x8a: {  	s29 =	simm.s32 $0x0;
	[tilespmem:v9+s25+$0x0] =	vst.idx.msk $0xffff, v11;
	v9 =	vmov v12  }
0x8b: {  	v11 =	vld.idx.msk [tilespmem:v12+s29+$0x0], $0xffff;
	_ =	sdelay $0x4  }
.Ltmp0:
0x8c: {  	(pc) =	sbr.rel @p0 .LBB2_2-.Ltmp0, $3  }
0x8d: {  	v11 =	vtrunc.f32 v11  }
0x8e: {  	v11 =	vcvt.f32.s32 v11;
	_ =	sdelay $0x1  }
0x8f: {  	s30 =	sshll.u32 s4, $0x7;
	s4 =	sadd.s32 $0x1, s4;
	vm0 =	veq.s32 v11, $0x0  }
0x90: {  	v12 =	vor.u32 s30, v0;
	v13 =	vsel vm0, $0x1, v1  }
0x91: {  	v10 =	vor.u32 v13, v10  }
0x92: {  	vm0 =	veq.s32 v10, $0x1  }
0x93: {  	v11 =	vsel vm0, $0x0, v11  }
0x94: {  	[tilespmem:v9+s25+$0x0] =	vst.idx.msk $0xffff, v11  }
0x95: {  	v9 =	vld.idx.msk [tilespmem:v12+s29+$0x0], $0xffff;
	_ =	sdelay $0x4  }
0x96: {  	v9 =	vtrunc.f32 v9  }
0x97: {  	v9 =	vcvt.f32.s32 v9;
	_ =	sdelay $0x1  }
0x98: {  	p1 =	por $0x1, $0x1;
	vm0 =	veq.s32 v9, $0x0  }
.Ltmp1:
0x99: {  	v11 =	vsel vm0, $0x1, v1;
	(pc) =	sbr.rel @!p1 .LBB2_7-.Ltmp1, $4  }
0x9a: {  	v10 =	vor.u32 v11, v10  }
0x9b: {  	vm0 =	veq.s32 v10, $0x1  }
0x9c: {  	s4 =	simm.s32 $0x0;
	v10 =	vsel vm0, $0x0, v9  }
0x9d: {  	p0 =	por $0x0, $0x0;
	s31 =	simm.s32 $0x0;
	p2 =	por $0x0, $0x0;
	v11 =	vimm.s32 $0x0;
	v9 =	vimm.s32 $0x0;
	[tilespmem:v12+s25+$0x0] =	vst.idx.msk $0xffff, v10  }
0x9e: {  	v10 =	vor.u32 s4, v2;
	_ =	sdelay $0x4  }
0x9f: {  	v11 =	vld.idx.msk [tilespmem:v10+s29+$0x0], $0xffff;
	_ =	sdelay $0x2  }
0xa0: {  	p3 =	por $0x1, $0x1  }
.Ltmp2:
0xa1: {  	_ = 	snop;
	(pc) =	sbr.rel @!p3 .LBB2_5-.Ltmp2, $3  }
0xa2: {  	v11 =	vtrunc.f32 v11  }
0xa3: {  	v12 =	vcvt.f32.s32 v11;
	_ =	sdelay $0x1  }
0xa4: {  	s31 =	simm.s32 $0x80;
	s30 =	simm.s32 $0x2;
	p2 =	por $0x1, $0x1;
	v11 =	vimm.s32 $0x0;
	vm0 =	veq.s32 v12, $0x0  }
.LBB2_6:
0xa5: {  	p3 =	sne.s32 s30, $0x13;
	v13 =	vor.u32 s31, v2;
	v14 =	vsel vm0, $0x1, v1  }
0xa6: {  	v11 =	vor.u32 v14, v11  }
0xa7: {  	vm0 =	veq.s32 v11, $0x1  }
0xa8: {  	v12 =	vsel vm0, $0x0, v12  }
0xa9: {  	[tilespmem:v10+s25+$0x0] =	vst.idx.msk $0xffff, v12;
	v10 =	vmov v13  }
0xaa: {  	v12 =	vld.idx.msk [tilespmem:v13+s29+$0x0], $0xffff;
	_ =	sdelay $0x4  }
.Ltmp3:
0xab: {  	(pc) =	sbr.rel @p3 .LBB2_6-.Ltmp3, $3  }
0xac: {  	v12 =	vtrunc.f32 v12  }
0xad: {  	v12 =	vcvt.f32.s32 v12;
	_ =	sdelay $0x1  }
0xae: {  	s31 =	sshll.u32 s30, $0x7;
	s30 =	sadd.s32 $0x1, s30;
	vm0 =	veq.s32 v12, $0x0  }
.LBB2_7:
0xaf: {  	v13 =	vor.u32 s31, v2;
	v14 =	vsel @p2 vm0, $0x1, v1  }
0xb0: {  	v11 =	vor.u32 @p2 v14, v11  }
0xb1: {  	vm0 =	veq.s32 @p2 v11, $0x1  }
0xb2: {  	v12 =	vsel @p2 vm0, $0x0, v12  }
0xb3: {  	[tilespmem:v10+s25+$0x0] =	vst.idx.msk @p2 $0xffff, v12  }
0xb4: {  	v10 =	vld.idx.msk [tilespmem:v13+s29+$0x0], $0xffff;
	_ =	sdelay $0x4  }
0xb5: {  	v10 =	vtrunc.f32 v10  }
0xb6: {  	v10 =	vcvt.f32.s32 v10;
	_ =	sdelay $0x1  }
0xb7: {  	vm14 =	veq.s32 v10, $0x0  }
.Ltmp4:
0xb8: {  	v11 =	vpsel p2, v11, v9;
	v63 =	vsel vm14, $0x1, v1;
	(pc) =	sbr.rel @!p1 .LBB2_8-.Ltmp4, $4  }
0xb9: {  	v11 =	vor.u32 v63, v11  }
0xba: {  	vm15 =	veq.s32 v11, $0x1  }
0xbb: {  	v10 =	vsel vm15, $0x0, v10  }
0xbc: {  	[tilespmem:v13+s25+$0x0] =	vst.idx.msk $0xffff, v10  }
0xbd: {  	v10 =	vor.u32 s4, v3;
	_ =	sdelay $0x3  }
0xbe: {  	s29 =	simm.s32 $0x0  }
0xbf: {  	v11 =	vld.idx.msk [tilespmem:v10+s29+$0x0], $0xffff;
	_ =	sdelay $0x2  }
0xc0: {  	p1 =	por $0x1, $0x1  }
.Ltmp5:
0xc1: {  	_ = 	snop;
	(pc) =	sbr.rel @!p1 .LBB2_10-.Ltmp5, $3  }
0xc2: {  	v11 =	vtrunc.f32 v11  }
0xc3: {  	v12 =	vcvt.f32.s32 v11;
	_ =	sdelay $0x1  }
0xc4: {  	s4 =	simm.s32 $0x80;
	s30 =	simm.s32 $0x2;
	p0 =	por $0x1, $0x1;
	v11 =	vimm.s32 $0x0;
	vm0 =	veq.s32 v12, $0x0  }
.LBB2_11:
0xc5: {  	p1 =	sne.s32 s30, $0x13;
	v13 =	vor.u32 s4, v3;
	v14 =	vsel vm0, $0x1, v1  }
0xc6: {  	v11 =	vor.u32 v14, v11  }
0xc7: {  	vm0 =	veq.s32 v11, $0x1  }
0xc8: {  	v12 =	vsel vm0, $0x0, v12  }
0xc9: {  	[tilespmem:v10+s25+$0x0] =	vst.idx.msk $0xffff, v12;
	v10 =	vmov v13  }
0xca: {  	v12 =	vld.idx.msk [tilespmem:v13+s29+$0x0], $0xffff;
	_ =	sdelay $0x4  }
.Ltmp6:
0xcb: {  	(pc) =	sbr.rel @p1 .LBB2_11-.Ltmp6, $3  }
0xcc: {  	v12 =	vtrunc.f32 v12  }
0xcd: {  	v12 =	vcvt.f32.s32 v12;
	_ =	sdelay $0x1  }
0xce: {  	s4 =	sshll.u32 s30, $0x7;
	s30 =	sadd.s32 $0x1, s30;
	vm0 =	veq.s32 v12, $0x0  }
.LBB2_12:
0xcf: {  	v13 =	vor.u32 s4, v3;
	v14 =	vsel @p0 vm0, $0x1, v1  }
0xd0: {  	v11 =	vor.u32 @p0 v14, v11  }
0xd1: {  	vm0 =	veq.s32 @p0 v11, $0x1  }
0xd2: {  	v12 =	vsel @p0 vm0, $0x0, v12  }
0xd3: {  	s29 =	simm.s32 $0x0;
	[tilespmem:v10+s25+$0x0] =	vst.idx.msk @p0 $0xffff, v12  }
0xd4: {  	v10 =	vld.idx.msk [tilespmem:v13+s29+$0x0], $0xffff;
	_ =	sdelay $0x4  }
0xd5: {  	v10 =	vtrunc.f32 v10  }
0xd6: {  	v10 =	vcvt.f32.s32 v10;
	_ =	sdelay $0x1  }
0xd7: {  	p1 =	por $0x1, $0x1;
	vm0 =	veq.s32 v10, $0x0  }
.Ltmp7:
0xd8: {  	v9 =	vpsel p0, v11, v9;
	v11 =	vsel vm0, $0x1, v1;
	(pc) =	sbr.rel @!p1 .LBB2_16-.Ltmp7, $4  }
0xd9: {  	v9 =	vor.u32 v11, v9  }
0xda: {  	vm0 =	veq.s32 v9, $0x1  }
0xdb: {  	s4 =	simm.s32 $0x0;
	v10 =	vsel vm0, $0x0, v10  }
0xdc: {  	s31 =	simm.s32 $0x0;
	p2 =	por $0x0, $0x0;
	p0 =	por $0x0, $0x0;
	v11 =	vimm.s32 $0x0;
	v9 =	vimm.s32 $0x0;
	[tilespmem:v13+s25+$0x0] =	vst.idx.msk $0xffff, v10  }
0xdd: {  	v10 =	vor.u32 s4, v4;
	_ =	sdelay $0x4  }
0xde: {  	v11 =	vld.idx.msk [tilespmem:v10+s29+$0x0], $0xffff;
	_ =	sdelay $0x2  }
0xdf: {  	p3 =	por $0x1, $0x1  }
.Ltmp8:
0xe0: {  	_ = 	snop;
	(pc) =	sbr.rel @!p3 .LBB2_14-.Ltmp8, $3  }
0xe1: {  	v11 =	vtrunc.f32 v11  }
0xe2: {  	v12 =	vcvt.f32.s32 v11;
	_ =	sdelay $0x1  }
0xe3: {  	s31 =	simm.s32 $0x80;
	s30 =	simm.s32 $0x2;
	p2 =	por $0x1, $0x1;
	v11 =	vimm.s32 $0x0;
	vm0 =	veq.s32 v12, $0x0  }
.LBB2_15:
0xe4: {  	p3 =	sne.s32 s30, $0x13;
	v13 =	vor.u32 s31, v4;
	v14 =	vsel vm0, $0x1, v1  }
0xe5: {  	v11 =	vor.u32 v14, v11  }
0xe6: {  	vm0 =	veq.s32 v11, $0x1  }
0xe7: {  	v12 =	vsel vm0, $0x0, v12  }
0xe8: {  	[tilespmem:v10+s25+$0x0] =	vst.idx.msk $0xffff, v12;
	v10 =	vmov v13  }
0xe9: {  	v12 =	vld.idx.msk [tilespmem:v13+s29+$0x0], $0xffff;
	_ =	sdelay $0x4  }
.Ltmp9:
0xea: {  	(pc) =	sbr.rel @p3 .LBB2_15-.Ltmp9, $3  }
0xeb: {  	v12 =	vtrunc.f32 v12  }
0xec: {  	v12 =	vcvt.f32.s32 v12;
	_ =	sdelay $0x1  }
0xed: {  	s31 =	sshll.u32 s30, $0x7;
	s30 =	sadd.s32 $0x1, s30;
	vm0 =	veq.s32 v12, $0x0  }
.LBB2_16:
0xee: {  	v13 =	vor.u32 s31, v4;
	v14 =	vsel @p2 vm0, $0x1, v1  }
0xef: {  	v11 =	vor.u32 @p2 v14, v11  }
0xf0: {  	vm0 =	veq.s32 @p2 v11, $0x1  }
0xf1: {  	v12 =	vsel @p2 vm0, $0x0, v12  }
0xf2: {  	[tilespmem:v10+s25+$0x0] =	vst.idx.msk @p2 $0xffff, v12  }
0xf3: {  	v10 =	vld.idx.msk [tilespmem:v13+s29+$0x0], $0xffff;
	_ =	sdelay $0x4  }
0xf4: {  	v10 =	vtrunc.f32 v10  }
0xf5: {  	v10 =	vcvt.f32.s32 v10;
	_ =	sdelay $0x1  }
0xf6: {  	vm14 =	veq.s32 v10, $0x0  }
.Ltmp10:
0xf7: {  	v11 =	vpsel p2, v11, v9;
	v63 =	vsel vm14, $0x1, v1;
	(pc) =	sbr.rel @!p1 .LBB2_17-.Ltmp10, $4  }
0xf8: {  	v11 =	vor.u32 v63, v11  }
0xf9: {  	vm15 =	veq.s32 v11, $0x1  }
0xfa: {  	v10 =	vsel vm15, $0x0, v10  }
0xfb: {  	[tilespmem:v13+s25+$0x0] =	vst.idx.msk $0xffff, v10  }
0xfc: {  	v10 =	vor.u32 s4, v5;
	_ =	sdelay $0x3  }
0xfd: {  	s29 =	simm.s32 $0x0  }
0xfe: {  	v11 =	vld.idx.msk [tilespmem:v10+s29+$0x0], $0xffff;
	_ =	sdelay $0x2  }
0xff: {  	p1 =	por $0x1, $0x1  }
.Ltmp11:
0x100: {  	_ = 	snop;
	(pc) =	sbr.rel @!p1 .LBB2_19-.Ltmp11, $3  }
0x101: {  	v11 =	vtrunc.f32 v11  }
0x102: {  	v12 =	vcvt.f32.s32 v11;
	_ =	sdelay $0x1  }
0x103: {  	s4 =	simm.s32 $0x80;
	s30 =	simm.s32 $0x2;
	p0 =	por $0x1, $0x1;
	v11 =	vimm.s32 $0x0;
	vm0 =	veq.s32 v12, $0x0  }
.LBB2_20:
0x104: {  	p1 =	sne.s32 s30, $0x13;
	v13 =	vor.u32 s4, v5;
	v14 =	vsel vm0, $0x1, v1  }
0x105: {  	v11 =	vor.u32 v14, v11  }
0x106: {  	vm0 =	veq.s32 v11, $0x1  }
0x107: {  	v12 =	vsel vm0, $0x0, v12  }
0x108: {  	[tilespmem:v10+s25+$0x0] =	vst.idx.msk $0xffff, v12;
	v10 =	vmov v13  }
0x109: {  	v12 =	vld.idx.msk [tilespmem:v13+s29+$0x0], $0xffff;
	_ =	sdelay $0x4  }
.Ltmp12:
0x10a: {  	(pc) =	sbr.rel @p1 .LBB2_20-.Ltmp12, $3  }
0x10b: {  	v12 =	vtrunc.f32 v12  }
0x10c: {  	v12 =	vcvt.f32.s32 v12;
	_ =	sdelay $0x1  }
0x10d: {  	s4 =	sshll.u32 s30, $0x7;
	s30 =	sadd.s32 $0x1, s30;
	vm0 =	veq.s32 v12, $0x0  }
.LBB2_21:
0x10e: {  	v13 =	vor.u32 s4, v5;
	v14 =	vsel @p0 vm0, $0x1, v1  }
0x10f: {  	v11 =	vor.u32 @p0 v14, v11  }
0x110: {  	vm0 =	veq.s32 @p0 v11, $0x1  }
0x111: {  	v12 =	vsel @p0 vm0, $0x0, v12  }
0x112: {  	s29 =	simm.s32 $0x0;
	[tilespmem:v10+s25+$0x0] =	vst.idx.msk @p0 $0xffff, v12  }
0x113: {  	v10 =	vld.idx.msk [tilespmem:v13+s29+$0x0], $0xffff;
	_ =	sdelay $0x4  }
0x114: {  	v10 =	vtrunc.f32 v10  }
0x115: {  	v10 =	vcvt.f32.s32 v10;
	_ =	sdelay $0x1  }
0x116: {  	p1 =	por $0x1, $0x1;
	vm0 =	veq.s32 v10, $0x0  }
.Ltmp13:
0x117: {  	v9 =	vpsel p0, v11, v9;
	v11 =	vsel vm0, $0x1, v1;
	(pc) =	sbr.rel @!p1 .LBB2_25-.Ltmp13, $4  }
0x118: {  	v9 =	vor.u32 v11, v9  }
0x119: {  	vm0 =	veq.s32 v9, $0x1  }
0x11a: {  	s4 =	simm.s32 $0x0;
	v10 =	vsel vm0, $0x0, v10  }
0x11b: {  	s31 =	simm.s32 $0x0;
	p2 =	por $0x0, $0x0;
	p0 =	por $0x0, $0x0;
	v11 =	vimm.s32 $0x0;
	v9 =	vimm.s32 $0x0;
	[tilespmem:v13+s25+$0x0] =	vst.idx.msk $0xffff, v10  }
0x11c: {  	v10 =	vor.u32 s4, v6;
	_ =	sdelay $0x4  }
0x11d: {  	v11 =	vld.idx.msk [tilespmem:v10+s29+$0x0], $0xffff;
	_ =	sdelay $0x2  }
0x11e: {  	p3 =	por $0x1, $0x1  }
.Ltmp14:
0x11f: {  	_ = 	snop;
	(pc) =	sbr.rel @!p3 .LBB2_23-.Ltmp14, $3  }
0x120: {  	v11 =	vtrunc.f32 v11  }
0x121: {  	v12 =	vcvt.f32.s32 v11;
	_ =	sdelay $0x1  }
0x122: {  	s31 =	simm.s32 $0x80;
	s30 =	simm.s32 $0x2;
	p2 =	por $0x1, $0x1;
	v11 =	vimm.s32 $0x0;
	vm0 =	veq.s32 v12, $0x0  }
.LBB2_24:
0x123: {  	p3 =	sne.s32 s30, $0x13;
	v13 =	vor.u32 s31, v6;
	v14 =	vsel vm0, $0x1, v1  }
0x124: {  	v11 =	vor.u32 v14, v11  }
0x125: {  	vm0 =	veq.s32 v11, $0x1  }
0x126: {  	v12 =	vsel vm0, $0x0, v12  }
0x127: {  	[tilespmem:v10+s25+$0x0] =	vst.idx.msk $0xffff, v12;
	v10 =	vmov v13  }
0x128: {  	v12 =	vld.idx.msk [tilespmem:v13+s29+$0x0], $0xffff;
	_ =	sdelay $0x4  }
.Ltmp15:
0x129: {  	(pc) =	sbr.rel @p3 .LBB2_24-.Ltmp15, $3  }
0x12a: {  	v12 =	vtrunc.f32 v12  }
0x12b: {  	v12 =	vcvt.f32.s32 v12;
	_ =	sdelay $0x1  }
0x12c: {  	s31 =	sshll.u32 s30, $0x7;
	s30 =	sadd.s32 $0x1, s30;
	vm0 =	veq.s32 v12, $0x0  }
.LBB2_25:
0x12d: {  	v13 =	vor.u32 s31, v6;
	v14 =	vsel @p2 vm0, $0x1, v1  }
0x12e: {  	v11 =	vor.u32 @p2 v14, v11  }
0x12f: {  	vm0 =	veq.s32 @p2 v11, $0x1  }
0x130: {  	v12 =	vsel @p2 vm0, $0x0, v12  }
0x131: {  	[tilespmem:v10+s25+$0x0] =	vst.idx.msk @p2 $0xffff, v12  }
0x132: {  	v10 =	vld.idx.msk [tilespmem:v13+s29+$0x0], $0xffff;
	_ =	sdelay $0x4  }
0x133: {  	v10 =	vtrunc.f32 v10  }
0x134: {  	v10 =	vcvt.f32.s32 v10;
	_ =	sdelay $0x1  }
0x135: {  	vm14 =	veq.s32 v10, $0x0  }
.Ltmp16:
0x136: {  	v11 =	vpsel p2, v11, v9;
	v63 =	vsel vm14, $0x1, v1;
	(pc) =	sbr.rel @!p1 .LBB2_26-.Ltmp16, $4  }
0x137: {  	v11 =	vor.u32 v63, v11  }
0x138: {  	vm15 =	veq.s32 v11, $0x1  }
0x139: {  	v10 =	vsel vm15, $0x0, v10  }
0x13a: {  	[tilespmem:v13+s25+$0x0] =	vst.idx.msk $0xffff, v10  }
0x13b: {  	v10 =	vor.u32 s4, v7;
	_ =	sdelay $0x3  }
0x13c: {  	s29 =	simm.s32 $0x0  }
0x13d: {  	v11 =	vld.idx.msk [tilespmem:v10+s29+$0x0], $0xffff;
	_ =	sdelay $0x2  }
0x13e: {  	p1 =	por $0x1, $0x1  }
.Ltmp17:
0x13f: {  	_ = 	snop;
	(pc) =	sbr.rel @!p1 .LBB2_28-.Ltmp17, $3  }
0x140: {  	v11 =	vtrunc.f32 v11  }
0x141: {  	v12 =	vcvt.f32.s32 v11;
	_ =	sdelay $0x1  }
0x142: {  	s4 =	simm.s32 $0x80;
	s30 =	simm.s32 $0x2;
	p0 =	por $0x1, $0x1;
	v11 =	vimm.s32 $0x0;
	vm0 =	veq.s32 v12, $0x0  }
.LBB2_29:
0x143: {  	p1 =	sne.s32 s30, $0x13;
	v13 =	vor.u32 s4, v7;
	v14 =	vsel vm0, $0x1, v1  }
0x144: {  	v11 =	vor.u32 v14, v11  }
0x145: {  	vm0 =	veq.s32 v11, $0x1  }
0x146: {  	v12 =	vsel vm0, $0x0, v12  }
0x147: {  	[tilespmem:v10+s25+$0x0] =	vst.idx.msk $0xffff, v12;
	v10 =	vmov v13  }
0x148: {  	v12 =	vld.idx.msk [tilespmem:v13+s29+$0x0], $0xffff;
	_ =	sdelay $0x4  }
.Ltmp18:
0x149: {  	(pc) =	sbr.rel @p1 .LBB2_29-.Ltmp18, $3  }
0x14a: {  	v12 =	vtrunc.f32 v12  }
0x14b: {  	v12 =	vcvt.f32.s32 v12;
	_ =	sdelay $0x1  }
0x14c: {  	s4 =	sshll.u32 s30, $0x7;
	s30 =	sadd.s32 $0x1, s30;
	vm0 =	veq.s32 v12, $0x0  }
.LBB2_30:
0x14d: {  	v13 =	vor.u32 s4, v7;
	v14 =	vsel @p0 vm0, $0x1, v1  }
0x14e: {  	v11 =	vor.u32 @p0 v14, v11  }
0x14f: {  	vm0 =	veq.s32 @p0 v11, $0x1  }
0x150: {  	v12 =	vsel @p0 vm0, $0x0, v12  }
0x151: {  	s31 =	simm.s32 $0x0;
	[tilespmem:v10+s25+$0x0] =	vst.idx.msk @p0 $0xffff, v12  }
0x152: {  	v10 =	vld.idx.msk [tilespmem:v13+s31+$0x0], $0xffff;
	_ =	sdelay $0x4  }
0x153: {  	v10 =	vtrunc.f32 v10  }
0x154: {  	v10 =	vcvt.f32.s32 v10;
	_ =	sdelay $0x1  }
0x155: {  	p1 =	por $0x1, $0x1;
	vm14 =	veq.s32 v10, $0x0  }
.Ltmp19:
0x156: {  	v9 =	vpsel p0, v11, v9;
	v11 =	vsel vm14, $0x1, v1;
	(pc) =	sbr.rel @!p1 .LBB2_31-.Ltmp19, $4  }
0x157: {  	v9 =	vor.u32 v11, v9  }
0x158: {  	vm15 =	veq.s32 v9, $0x1  }
0x159: {  	v9 =	vsel vm15, $0x0, v10  }
0x15a: {  	s29 =	simm.s32 $0x0;
	p0 =	por $0x0, $0x0;
	[tilespmem:v13+s25+$0x0] =	vst.idx.msk $0xffff, v9;
	v9 =	vimm.s32 $0x0  }
0x15b: {  	v10 =	vor.u32 s29, v8;
	_ =	sdelay $0x4  }
0x15c: {  	v11 =	vld.idx.msk [tilespmem:v10+s3+$0x0], $0xffff;
	_ =	sdelay $0x2  }
0x15d: {  	p1 =	por $0x1, $0x1  }
.Ltmp20:
0x15e: {  	_ = 	snop;
	(pc) =	sbr.rel @!p1 .LBB2_33-.Ltmp20, $3  }
0x15f: {  	v11 =	vtrunc.f32 v11  }
0x160: {  	v12 =	vcvt.f32.s32 v11;
	_ =	sdelay $0x1  }
0x161: {  	s29 =	simm.s32 $0x80;
	s4 =	simm.s32 $0x2;
	p0 =	por $0x1, $0x1;
	v11 =	vimm.s32 $0x0;
	vm0 =	veq.s32 v12, $0x0  }
.LBB2_34:
0x162: {  	p1 =	sne.s32 s4, $0x13;
	v13 =	vor.u32 s29, v8;
	v14 =	vsel vm0, $0x1, v1  }
0x163: {  	v11 =	vor.u32 v14, v11  }
0x164: {  	vm0 =	veq.s32 v11, $0x1  }
0x165: {  	v12 =	vsel vm0, $0x0, v12  }
0x166: {  	[tilespmem:v10+s25+$0x0] =	vst.idx.msk $0xffff, v12;
	v10 =	vmov v13  }
0x167: {  	v12 =	vld.idx.msk [tilespmem:v13+s3+$0x0], $0xffff;
	_ =	sdelay $0x4  }
.Ltmp21:
0x168: {  	(pc) =	sbr.rel @p1 .LBB2_34-.Ltmp21, $3  }
0x169: {  	v12 =	vtrunc.f32 v12  }
0x16a: {  	v12 =	vcvt.f32.s32 v12;
	_ =	sdelay $0x1  }
0x16b: {  	s29 =	sshll.u32 s4, $0x7;
	s4 =	sadd.s32 $0x1, s4;
	vm0 =	veq.s32 v12, $0x0  }
.LBB2_35:
0x16c: {  	v13 =	vor.u32 s29, v8;
	v14 =	vsel @p0 vm0, $0x1, v1  }
0x16d: {  	v11 =	vor.u32 @p0 v14, v11  }
0x16e: {  	vm0 =	veq.s32 @p0 v11, $0x1  }
0x16f: {  	v12 =	vsel @p0 vm0, $0x0, v12  }
0x170: {  	[tilespmem:v10+s25+$0x0] =	vst.idx.msk @p0 $0xffff, v12  }
0x171: {  	v10 =	vld.idx.msk [tilespmem:v13+s3+$0x0], $0xffff;
	_ =	sdelay $0x4  }
0x172: {  	v10 =	vtrunc.f32 v10  }
0x173: {  	v10 =	vcvt.f32.s32 v10;
	_ =	sdelay $0x1  }
0x174: {  	vm14 =	veq.s32 v10, $0x0  }
0x175: {  	v9 =	vpsel p0, v11, v9;
	v11 =	vsel vm14, $0x1, v1  }
0x176: {  	v9 =	vor.u32 v11, v9  }
0x177: {  	vm15 =	veq.s32 v9, $0x1  }
0x178: {  	v9 =	vsel vm15, $0x0, v10  }
0x179: {  	[tilespmem:v13+s25+$0x0] =	vst.idx.msk $0xffff, v9  }
0x17a: {  	[hbm4b:s23+s20] =	stream.strided.scatter [tilespmem:s25], [sflag:$0x2], $0x800, s21, s20, $0x38;
	[tilespmem:$0x11800] =	vst v63  }
0x17b: {  	s4 =	sadd.s32 $0x2000, s23;
	s30 =	simm.s32 $0x1400  }
0x17c: {  	[hbm4b:s4+s3] =	stream.linear.scatter [tilespmem:s30], [sflag:$0x2], $0x200, $0x38;
	[tilespmem:$0x11800] =	vst v63  }
0x17d: {  	_ =	swait.ge [sflag:s22], $0xA00  }
0x17e: {  	[sflag:s22] =	ssyncset.done $0x0  }
0x17f: {  	[sflag:s22] =	ssyncadd.s32 $0xFFFFF600  }
0x180: {  	_ =	swait.ge [sflag:s26], $0x10000  }
0x181: {  	[sflag:s26] =	ssyncset.done $0x0  }
0x182: {  	[sflag:s26] =	ssyncadd.s32 $0xFFFF0000  }
0x183: {  	_ =	swait.ge [sflag:s26], $0x10000  }
0x184: {  	[sflag:s26] =	ssyncset.done $0x0  }
0x185: {  	[sflag:s26] =	ssyncadd.s32 $0xFFFF0000  }
0x186: {  	_ =	swait.ge [sflag:s26], $0x10000  }
0x187: {  	[sflag:s26] =	ssyncset.done $0x0  }
0x188: {  	[sflag:s26] =	ssyncadd.s32 $0xFFFF0000  }
0x189: {  	_ =	swait.ge [sflag:s26], $0x10000  }
0x18a: {  	[sflag:s26] =	ssyncset.done $0x0  }
0x18b: {  	[sflag:s26] =	ssyncadd.s32 $0xFFFF0000  }
0x18c: {  	_ =	swait.ge [sflag:s26], $0x10000  }
0x18d: {  	[sflag:s26] =	ssyncset.done $0x0  }
0x18e: {  	[sflag:s26] =	ssyncadd.s32 $0xFFFF0000  }
0x18f: {  	_ =	swait.ge [sflag:s26], $0x10000  }
0x190: {  	[sflag:s26] =	ssyncset.done $0x0  }
0x191: {  	[sflag:s26] =	ssyncadd.s32 $0xFFFF0000  }
0x192: {  	_ =	swait.ge [sflag:s26], $0x10000  }
0x193: {  	[sflag:s26] =	ssyncset.done $0x0  }
0x194: {  	[sflag:s26] =	ssyncadd.s32 $0xFFFF0000  }
0x195: {  	_ =	swait.ge [sflag:s26], $0x10000  }
0x196: {  	[sflag:s26] =	ssyncset.done $0x0  }
0x197: {  	[sflag:s26] =	ssyncadd.s32 $0xFFFF0000  }
0x198: {  	_ =	swait.ge [sflag:s26], $0x10000  }
0x199: {  	[sflag:s26] =	ssyncset.done $0x0  }
0x19a: {  	[sflag:s26] =	ssyncadd.s32 $0xFFFF0000  }
0x19b: {  	_ =	swait.ge [sflag:s26], $0x10000  }
0x19c: {  	[sflag:s26] =	ssyncset.done $0x0  }
0x19d: {  	[sflag:s26] =	ssyncadd.s32 $0xFFFF0000  }
0x19e: {  	_ =	swait.ge [sflag:s26], $0x10000  }
0x19f: {  	[sflag:s26] =	ssyncset.done $0x0  }
0x1a0: {  	[sflag:s26] =	ssyncadd.s32 $0xFFFF0000  }
0x1a1: {  	_ =	swait.ge [sflag:s26], $0x10000  }
0x1a2: {  	[sflag:s26] =	ssyncset.done $0x0  }
0x1a3: {  	[sflag:s26] =	ssyncadd.s32 $0xFFFF0000  }
0x1a4: {  	_ =	swait.ge [sflag:s26], $0x10000  }
0x1a5: {  	[sflag:s26] =	ssyncset.done $0x0  }
0x1a6: {  	[sflag:s26] =	ssyncadd.s32 $0xFFFF0000  }
0x1a7: {  	_ =	swait.ge [sflag:s26], $0x10000  }
0x1a8: {  	[sflag:s26] =	ssyncset.done $0x0  }
0x1a9: {  	[sflag:s26] =	ssyncadd.s32 $0xFFFF0000  }
0x1aa: {  	_ =	swait.ge [sflag:s26], $0x10000  }
0x1ab: {  	[sflag:s26] =	ssyncset.done $0x0  }
0x1ac: {  	[sflag:s26] =	ssyncadd.s32 $0xFFFF0000  }
0x1ad: {  	_ =	swait.ge [sflag:s26], $0x10000  }
0x1ae: {  	[sflag:s26] =	ssyncset.done $0x0  }
0x1af: {  	[sflag:s26] =	ssyncadd.s32 $0xFFFF0000  }
0x1b0: {  	_ =	swait.ge [sflag:s26], $0x10000  }
0x1b1: {  	[sflag:s26] =	ssyncset.done $0x0  }
0x1b2: {  	[sflag:s26] =	ssyncadd.s32 $0xFFFF0000  }
0x1b3: {  	_ =	swait.ge [sflag:s26], $0x10000  }
0x1b4: {  	[sflag:s26] =	ssyncset.done $0x0  }
0x1b5: {  	[sflag:s26] =	ssyncadd.s32 $0xFFFF0000  }
0x1b6: {  	_ =	swait.ge [sflag:s26], $0x10000  }
0x1b7: {  	[sflag:s26] =	ssyncset.done $0x0  }
0x1b8: {  	[sflag:s26] =	ssyncadd.s32 $0xFFFF0000  }
0x1b9: {  	_ =	swait.ge [sflag:s26], $0x10000  }
0x1ba: {  	[sflag:s26] =	ssyncset.done $0x0  }
0x1bb: {  	[sflag:s26] =	ssyncadd.s32 $0xFFFF0000  }
0x1bc: {  	_ =	swait.ge [sflag:s26], $0x10000  }
0x1bd: {  	[sflag:s26] =	ssyncset.done $0x0  }
0x1be: {  	[sflag:s26] =	ssyncadd.s32 $0xFFFF0000  }
0x1bf: {  	_ =	swait.ge [sflag:s26], $0x10000  }
0x1c0: {  	[sflag:s26] =	ssyncset.done $0x0  }
0x1c1: {  	[sflag:s26] =	ssyncadd.s32 $0xFFFF0000  }
0x1c2: {  	_ =	swait.ge [sflag:s26], $0x10000  }
0x1c3: {  	[sflag:s26] =	ssyncset.done $0x0  }
0x1c4: {  	[sflag:s26] =	ssyncadd.s32 $0xFFFF0000  }
0x1c5: {  	_ =	swait.ge [sflag:s26], $0x10000  }
0x1c6: {  	[sflag:s26] =	ssyncset.done $0x0  }
0x1c7: {  	[sflag:s26] =	ssyncadd.s32 $0xFFFF0000  }
0x1c8: {  	_ =	swait.ge [sflag:s26], $0x10000  }
0x1c9: {  	[sflag:s26] =	ssyncset.done $0x0  }
0x1ca: {  	[sflag:s26] =	ssyncadd.s32 $0xFFFF0000  }
0x1cb: {  	_ =	swait.ge [sflag:s26], $0x10000  }
0x1cc: {  	[sflag:s26] =	ssyncset.done $0x0  }
0x1cd: {  	[sflag:s26] =	ssyncadd.s32 $0xFFFF0000  }
0x1ce: {  	_ =	swait.ge [sflag:s26], $0x10000  }
0x1cf: {  	[sflag:s26] =	ssyncset.done $0x0  }
0x1d0: {  	[sflag:s26] =	ssyncadd.s32 $0xFFFF0000  }
0x1d1: {  	_ =	swait.ge [sflag:s26], $0x10000  }
0x1d2: {  	[sflag:s26] =	ssyncset.done $0x0  }
0x1d3: {  	[sflag:s26] =	ssyncadd.s32 $0xFFFF0000  }
0x1d4: {  	_ =	swait.ge [sflag:s26], $0x10000  }
0x1d5: {  	[sflag:s26] =	ssyncset.done $0x0  }
0x1d6: {  	[sflag:s26] =	ssyncadd.s32 $0xFFFF0000  }
0x1d7: {  	_ =	swait.ge [sflag:s26], $0x10000  }
0x1d8: {  	[sflag:s26] =	ssyncset.done $0x0  }
0x1d9: {  	[sflag:s26] =	ssyncadd.s32 $0xFFFF0000  }
0x1da: {  	_ =	swait.ge [sflag:s26], $0x10000  }
0x1db: {  	[sflag:s26] =	ssyncset.done $0x0  }
0x1dc: {  	[sflag:s26] =	ssyncadd.s32 $0xFFFF0000  }
0x1dd: {  	_ =	swait.ge [sflag:s26], $0x10000  }
0x1de: {  	[sflag:s26] =	ssyncset.done $0x0  }
0x1df: {  	[sflag:s26] =	ssyncadd.s32 $0xFFFF0000  }
0x1e0: {  	_ =	swait.ge [sflag:s26], $0x10000  }
0x1e1: {  	[sflag:s26] =	ssyncset.done $0x0  }
0x1e2: {  	[sflag:s26] =	ssyncadd.s32 $0xFFFF0000  }
0x1e3: {  	_ =	swait.ge [sflag:s26], $0x10000  }
0x1e4: {  	[sflag:s26] =	ssyncset.done $0x0  }
0x1e5: {  	[sflag:s26] =	ssyncadd.s32 $0xFFFF0000  }
0x1e6: {  	_ =	swait.ge [sflag:s26], $0x10000  }
0x1e7: {  	[sflag:s26] =	ssyncset.done $0x0  }
0x1e8: {  	[sflag:s26] =	ssyncadd.s32 $0xFFFF0000  }
0x1e9: {  	_ =	swait.ge [sflag:s26], $0x10000  }
0x1ea: {  	[sflag:s26] =	ssyncset.done $0x0  }
0x1eb: {  	[sflag:s26] =	ssyncadd.s32 $0xFFFF0000  }
0x1ec: {  	_ =	swait.ge [sflag:s26], $0x10000  }
0x1ed: {  	[sflag:s26] =	ssyncset.done $0x0  }
0x1ee: {  	[sflag:s26] =	ssyncadd.s32 $0xFFFF0000  }
0x1ef: {  	_ =	swait.ge [sflag:s26], $0x10000  }
0x1f0: {  	[sflag:s26] =	ssyncset.done $0x0  }
0x1f1: {  	[sflag:s26] =	ssyncadd.s32 $0xFFFF0000  }
0x1f2: {  	_ =	swait.ge [sflag:s26], $0x10000  }
0x1f3: {  	[sflag:s26] =	ssyncset.done $0x0  }
0x1f4: {  	[sflag:s26] =	ssyncadd.s32 $0xFFFF0000  }
0x1f5: {  	_ =	swait.ge [sflag:s26], $0x10000  }
0x1f6: {  	s28 =	sadd.s32 $0x1, s28;
	s31 =	rddreg [dreg:$0x18]  }
0x1f7: {  	p0 =	sne.s32 s28, s31  }
.Ltmp22:
0x1f8: {  	_ = 	snop;
	(pc) =	sbr.rel @p0 .LBB2_1-.Ltmp22, $4  }
.Ltmp23:
0x1f9: {  	_ = 	snop;
	(pc) =	sbr.rel @!p0 .LBB2_36-.Ltmp23, $4  }
0x1fa: {  	_ = 	snop  }
0x1fb: {  	[sflag:s26] =	ssyncset.done $0x0  }
0x1fc: {  	[sflag:s26] =	ssyncadd.s32 $0xFFFF0000  }
0x1fd: {  	_ = 	snop  }
.LBB2_8:
.Ltmp24:
0x1fe: {  	(pc) =	sbr.rel .LBB2_12-.Ltmp24, $2  }
0x1ff: {  	_ =	sdelay $0x2  }
0x200: {  	v11 =	vimm.s32 $0x0  }
.LBB2_17:
.Ltmp25:
0x201: {  	(pc) =	sbr.rel .LBB2_21-.Ltmp25, $2  }
0x202: {  	_ =	sdelay $0x2  }
0x203: {  	v11 =	vimm.s32 $0x0  }
.LBB2_26:
.Ltmp26:
0x204: {  	(pc) =	sbr.rel .LBB2_30-.Ltmp26, $2  }
0x205: {  	_ =	sdelay $0x2  }
0x206: {  	v11 =	vimm.s32 $0x0  }
.LBB2_31:
.Ltmp27:
0x207: {  	(pc) =	sbr.rel .LBB2_35-.Ltmp27, $2  }
0x208: {  	_ =	sdelay $0x2  }
0x209: {  	v11 =	vimm.s32 $0x0  }
.LBB2_5:
.Ltmp28:
0x20a: {  	(pc) =	sbr.rel .LBB2_7-.Ltmp28, $2  }
0x20b: {  	_ =	sdelay $0x2  }
0x20c: {  	v11 =	vimm.s32 $0x0  }
.LBB2_10:
.Ltmp29:
0x20d: {  	(pc) =	sbr.rel .LBB2_12-.Ltmp29, $2  }
0x20e: {  	_ =	sdelay $0x2  }
0x20f: {  	v11 =	vimm.s32 $0x0  }
.LBB2_14:
.Ltmp30:
0x210: {  	(pc) =	sbr.rel .LBB2_16-.Ltmp30, $2  }
0x211: {  	_ =	sdelay $0x2  }
0x212: {  	v11 =	vimm.s32 $0x0  }
.LBB2_19:
.Ltmp31:
0x213: {  	(pc) =	sbr.rel .LBB2_21-.Ltmp31, $2  }
0x214: {  	_ =	sdelay $0x2  }
0x215: {  	v11 =	vimm.s32 $0x0  }
.LBB2_23:
.Ltmp32:
0x216: {  	(pc) =	sbr.rel .LBB2_25-.Ltmp32, $2  }
0x217: {  	_ =	sdelay $0x2  }
0x218: {  	v11 =	vimm.s32 $0x0  }
.LBB2_28:
.Ltmp33:
0x219: {  	(pc) =	sbr.rel .LBB2_30-.Ltmp33, $2  }
0x21a: {  	_ =	sdelay $0x2  }
0x21b: {  	v11 =	vimm.s32 $0x0  }
.LBB2_33:
.Ltmp34:
0x21c: {  	(pc) =	sbr.rel .LBB2_35-.Ltmp34, $2  }
0x21d: {  	_ =	sdelay $0x2  }
0x21e: {  	v11 =	vimm.s32 $0x0  }
.LBB2_36:
0x21f: {  	_ =	sfence.sel $0x180000  }
0x220: {  	[bflag:$0x0] =	sbarrier.arrive $0xFFFF  }
0x221: {  	_ =	strace $0x90000047  }
0x222: {  	s0 =	stileid.u32;
	[bflag:$0x2] =	sbarrier.arrive $0xFFFF  }
0x223: {  	p0 =	sne.s32 s0, $0x0;
	s0 =	rddreg [dreg:$0x4]  }
0x224: {  	s0 =	sadd.s32 @!p0 $0x100000, s0  }
0x225: {  	[sflag:s0] =	ssyncadd.tile.s32 @!p0 $0x1;
	_ =	shalt  }
.Lfunc_end2:
_tile_overlayer_lowered:
.L_overlay_start_2:
0x226: {  	(tag) =	ssettag $0x2  }
0x227: {  	s0 =	rddreg [dreg:$0x0];
	s2 =	stileid.u32  }
0x228: {  	s1 =	rddreg [dreg:$0x1];
	p0 =	sne.s32 s2, $0x0  }
0x229: {  	s3 =	rddreg [dreg:$0x2];
	[bflag:$0x3] =	sbarrier.arrive $0xFFFF;
	s2 =	simm.s32 @!p0 $0x1C02  }
0x22a: {  	[timem:s3], [sflag:s2] =	dma.local @!p0 [hbm:s0], s1  }
0x22b: {  	s0 =	simm.s32 @!p0 $0x2  }
0x22c: {  	_ =	swait.ge @!p0 [sflag:s0], s1  }
0x22d: {  	s1 =	ssub.s32 @!p0 $0x0, s1;
	[sflag:s0] =	ssyncset.done @!p0 $0x0  }
0x22e: {  	[sflag:s0] =	ssyncadd.s32 @!p0 s1  }
0x22f: {  	[bflag:$0x3] =	sbarrier.arrive $0xFFFF  }
0x230: {  	_ =	shalt  }

</sc_bundles>
